<compile_context>
chip_gen: v7x
topology: tpu7x:2x2x1
jax: 0.10.2.dev20260603
libtpu: 0.0.44.dev20260713+nightly
codegen_flags: <defaults>
</compile_context>

<pallas_src>
import functools

import jax
import jax.numpy as jnp
from jax import lax
from jax.experimental import pallas as pl
from jax.experimental.pallas import tpu as pltpu
from jax.experimental.pallas import tpu_sc as plsc

NB = 4
BB = 512


def _transpose_kernel(x_ref, o_ref):
    o_ref[...] = jnp.transpose(x_ref[...], (0, 2, 1))


def kernel(x, w):
    b, s = x.shape
    v, d = w.shape
    h = s // 2
    NW = 32
    bpw = b // NW
    n_chunks = bpw // NB
    assert bpw * NW == b and n_chunks * NB == bpw and n_chunks % 2 == 0
    xeo = x.reshape(b, h, 2).transpose(0, 2, 1).reshape(b, s)
    mesh = plsc.VectorSubcoreMesh(core_axis_name="c", subcore_axis_name="s")
    NC = mesh.num_cores

    @functools.partial(
        pl.kernel,
        out_type=jax.ShapeDtypeStruct((h, b, 2 * d), jnp.float32),
        mesh=mesh,
        scratch_types=[
            pltpu.VMEM((NB, s), jnp.int32),
            pltpu.VMEM((NB, s), jnp.int32),
            pltpu.VMEM((NB * s, d), jnp.float32),
            pltpu.VMEM((NB * s, d), jnp.float32),
            pltpu.SemaphoreType.DMA,
            pltpu.SemaphoreType.DMA,
        ],
        compiler_params=pltpu.CompilerParams(use_tc_tiling_on_sc=False),
    )
    def gather_stage(table_hbm, xeo_hbm, out_hbm, idx0, idx1, rows0, rows1,
                     gsem0, gsem1):
        wid = lax.axis_index("s") * NC + lax.axis_index("c")
        base = wid * bpw

        def fire(ci, idx_v, rows_v, gsem):
            b0 = pl.multiple_of(base + ci * NB, NB)
            pltpu.sync_copy(xeo_hbm.at[pl.ds(b0, NB)], idx_v)
            for j in range(NB):
                pltpu.async_copy(
                    table_hbm.at[idx_v.at[j]],
                    rows_v.at[pl.ds(j * s, s)],
                    gsem,
                )

        def drain_and_write(ci, rows_v, gsem):
            pltpu.make_async_copy(
                table_hbm.at[pl.ds(0, NB * s)], rows_v, gsem
            ).wait()
            b0 = pl.multiple_of(base + ci * NB, NB)
            for j in range(NB):
                pltpu.sync_copy(
                    rows_v.at[pl.ds(j * s, h)],
                    out_hbm.at[pl.ds(0, h), b0 + j, pl.ds(0, d)],
                )
                pltpu.sync_copy(
                    rows_v.at[pl.ds(j * s + h, h)],
                    out_hbm.at[pl.ds(0, h), b0 + j, pl.ds(d, d)],
                )

        fire(0, idx0, rows0, gsem0)

        def pair(j, carry):
            ca = 2 * j
            fire(ca + 1, idx1, rows1, gsem1)
            drain_and_write(ca, rows0, gsem0)

            @pl.when(j < n_chunks // 2 - 1)
            def _():
                fire(ca + 2, idx0, rows0, gsem0)

            drain_and_write(ca + 1, rows1, gsem1)
            return carry

        lax.fori_loop(0, n_chunks // 2, pair, 0)

    tbm = gather_stage(w, xeo)

    o2 = pl.pallas_call(
        _transpose_kernel,
        grid=(h,),
        in_specs=[
            pl.BlockSpec((1, b, 2 * d), lambda t: (t, 0, 0)),
        ],
        out_specs=pl.BlockSpec((1, 2 * d, b), lambda t: (t, 0, 0)),
        out_shape=jax.ShapeDtypeStruct((h, 2 * d, b), jnp.float32),
    )(tbm)

    return jnp.transpose(o2, (2, 0, 1)).reshape(b, s, d)

# --- scband reference (transcript-rebuilt; emitter-appended) ---
"""Pipeline reference for scband-fixed-embedding-89833535963882 (READ-ONLY COPY).

The authoritative reference and input builder live on the scoring server;
editing this copy changes nothing except your own understanding.
"""

import math
import jax, jax.numpy as jnp
import numpy as np

C_IN = 100000
D_MODEL = 64


def _build_table(c_in, d_model):
    position = np.arange(0, c_in, dtype=np.float64)[:, None]
    div_term = np.exp(np.arange(0, d_model, 2, dtype=np.float64) * -(math.log(10000.0) / d_model))
    w = np.zeros((c_in, d_model), dtype=np.float32)
    w[:, 0::2] = np.sin(position * div_term).astype(np.float32)
    w[:, 1::2] = np.cos(position * div_term).astype(np.float32)
    return jnp.asarray(w)


def setup_inputs(seed: int = 0) -> dict:
    key = jax.random.key(seed)
    x = jax.random.randint(key, (4096, 200), 0, C_IN, dtype=jnp.int32)
    w = _build_table(C_IN, D_MODEL)
    return {"x": x, "w": w}


def reference(x, w):
    # nn.Embedding lookup -> gather rows of the fixed sinusoidal table.
    # .detach() in the original -> stop_gradient.
    out = jnp.take(w, x, axis=0)
    return jax.lax.stop_gradient(out)

if __name__ == "__main__":
    import jax
    _d = setup_inputs()
    print(jax.jit(kernel)(*tuple(_d.values())))

</pallas_src>

<mosaic_0001>
#map = affine_map<(d0, d1) -> (0, 0)>
#map1 = affine_map<(d0, d1) -> (0, 0, 0)>
module attributes {stable_mosaic.version = 14 : i64} {
  func.func @gather_stage(%arg0: i32, %arg1: i32, %arg2: memref<100000x64xf32, #tpu.memory_space<hbm>>, %arg3: memref<4096x200xi32, #tpu.memory_space<hbm>>, %arg4: memref<100x4096x128xf32, #tpu.memory_space<hbm>>, %arg5: memref<4x200xi32, #tpu.memory_space<vmem>>, %arg6: memref<4x200xi32, #tpu.memory_space<vmem>>, %arg7: memref<800x64xf32, #tpu.memory_space<vmem>>, %arg8: memref<800x64xf32, #tpu.memory_space<vmem>>, %arg9: memref<!tpu.dma_semaphore, #tpu.memory_space<semaphore_mem>>, %arg10: memref<!tpu.dma_semaphore, #tpu.memory_space<semaphore_mem>>) attributes {dimension_semantics = [#tpu.dimension_semantics<core_parallel>, #tpu.dimension_semantics<subcore_parallel>], iteration_bounds = array<i64: 2, 16>, scalar_prefetch = 0 : i64, scratch_operands = 6 : i64, tpu.core_type = #tpu.core_type<sc_vector_subcore>, window_params = [{transform_indices = #map}, {transform_indices = #map}, {transform_indices = #map1}]} {
    %mul3A = arith.constant 2 : i32
    %mul3A_0 = arith.muli %arg1, %mul3A : i32
    %add3A = arith.addi %mul3A_0, %arg0 : i32
    %mul3A_1 = arith.constant 128 : i32
    %mul3A_2 = arith.muli %add3A, %mul3A_1 : i32
    %add3A_3 = arith.constant 0 : i32
    %add3A_4 = arith.addi %mul3A_2, %add3A_3 : i32
    %multiple_of3A = tpu.assume_multiple %add3A_4, 4 : i32
    "tpu.region"() ({
      %run_scoped3A = tpu.sem_alloc : memref<!tpu.dma_semaphore, #tpu.memory_space<semaphore_mem>>
      %dma_start3A_49 = arith.constant 0 : i32
      %dma_start3A_50 = tpu.memref_slice %arg3[%multiple_of3A, %dma_start3A_49] : memref<4096x200xi32, #tpu.memory_space<hbm>> -> memref<4x200xi32, #tpu.memory_space<hbm>>
      %dma_start3A_51 = arith.constant 0 : i32
      %dma_start3A_52 = tpu.memref_slice %arg3[%multiple_of3A, %dma_start3A_51] : memref<4096x200xi32, #tpu.memory_space<hbm>> -> memref<4x200xi32, #tpu.memory_space<hbm>>
      tpu.enqueue_dma source(%dma_start3A_52 : memref<4x200xi32, #tpu.memory_space<hbm>>) target(%arg5 : memref<4x200xi32, #tpu.memory_space<vmem>>) target_semaphore(%run_scoped3A : memref<!tpu.dma_semaphore, #tpu.memory_space<semaphore_mem>>)
      %dma_wait3A = arith.constant 0 : i32
      %dma_wait3A_53 = tpu.memref_slice %arg3[%multiple_of3A, %dma_wait3A] : memref<4096x200xi32, #tpu.memory_space<hbm>> -> memref<4x200xi32, #tpu.memory_space<hbm>>
      %dma_wait3A_54 = arith.constant 0 : i32
      %dma_wait3A_55 = tpu.memref_slice %arg3[%multiple_of3A, %dma_wait3A_54] : memref<4096x200xi32, #tpu.memory_space<hbm>> -> memref<4x200xi32, #tpu.memory_space<hbm>>
      tpu.wait_dma2 semaphore(%run_scoped3A : memref<!tpu.dma_semaphore, #tpu.memory_space<semaphore_mem>>) src(%dma_wait3A_55 : memref<4x200xi32, #tpu.memory_space<hbm>>) dst(%arg5 : memref<4x200xi32, #tpu.memory_space<vmem>>)
      tpu.yield
    }) : () -> ()
    %dma_start3A = arith.constant 0 : i32
    %dma_start3A_5 = arith.constant 0 : i32
    %dma_start3A_6 = arith.constant 0 : i32
    %dma_start3A_7 = tpu.memref_slice %arg7[%dma_start3A_5, %dma_start3A_6] : memref<800x64xf32, #tpu.memory_space<vmem>> -> memref<200x64xf32, #tpu.memory_space<vmem>>
    %dma_start3A_8 = arith.constant 0 : i32
    %dma_start3A_9 = tpu.memref_slice %arg5[%dma_start3A, %dma_start3A_8] : memref<4x200xi32, #tpu.memory_space<vmem>> -> memref<1x200xi32, #tpu.memory_space<vmem>>
    %dma_start3A_10 = tpu.memref_squeeze %dma_start3A_9 : memref<1x200xi32, #tpu.memory_space<vmem>> -> memref<200xi32, #tpu.memory_space<vmem>>
    %dma_start3A_11 = arith.constant 0 : i32
    %dma_start3A_12 = arith.constant 0 : i32
    %dma_start3A_13 = tpu.memref_slice %arg2[%dma_start3A_11, %dma_start3A_12] : memref<100000x64xf32, #tpu.memory_space<hbm>> -> memref<100000x64xf32, #tpu.memory_space<hbm>>
    tpu.enqueue_indirect_dma source(%dma_start3A_13 : memref<100000x64xf32, #tpu.memory_space<hbm>>) target(%dma_start3A_7 : memref<200x64xf32, #tpu.memory_space<vmem>>) offsets(%dma_start3A_10 : memref<200xi32, #tpu.memory_space<vmem>>) semaphore(%arg9 : memref<!tpu.dma_semaphore, #tpu.memory_space<semaphore_mem>>)
    %dma_start3A_14 = arith.constant 1 : i32
    %dma_start3A_15 = arith.constant 200 : i32
    %dma_start3A_16 = arith.constant 0 : i32
    %dma_start3A_17 = tpu.memref_slice %arg7[%dma_start3A_15, %dma_start3A_16] : memref<800x64xf32, #tpu.memory_space<vmem>> -> memref<200x64xf32, #tpu.memory_space<vmem>>
    %dma_start3A_18 = arith.constant 0 : i32
    %dma_start3A_19 = tpu.memref_slice %arg5[%dma_start3A_14, %dma_start3A_18] : memref<4x200xi32, #tpu.memory_space<vmem>> -> memref<1x200xi32, #tpu.memory_space<vmem>>
    %dma_start3A_20 = tpu.memref_squeeze %dma_start3A_19 : memref<1x200xi32, #tpu.memory_space<vmem>> -> memref<200xi32, #tpu.memory_space<vmem>>
    %dma_start3A_21 = arith.constant 0 : i32
    %dma_start3A_22 = arith.constant 0 : i32
    %dma_start3A_23 = tpu.memref_slice %arg2[%dma_start3A_21, %dma_start3A_22] : memref<100000x64xf32, #tpu.memory_space<hbm>> -> memref<100000x64xf32, #tpu.memory_space<hbm>>
    tpu.enqueue_indirect_dma source(%dma_start3A_23 : memref<100000x64xf32, #tpu.memory_space<hbm>>) target(%dma_start3A_17 : memref<200x64xf32, #tpu.memory_space<vmem>>) offsets(%dma_start3A_20 : memref<200xi32, #tpu.memory_space<vmem>>) semaphore(%arg9 : memref<!tpu.dma_semaphore, #tpu.memory_space<semaphore_mem>>)
    %dma_start3A_24 = arith.constant 2 : i32
    %dma_start3A_25 = arith.constant 400 : i32
    %dma_start3A_26 = arith.constant 0 : i32
    %dma_start3A_27 = tpu.memref_slice %arg7[%dma_start3A_25, %dma_start3A_26] : memref<800x64xf32, #tpu.memory_space<vmem>> -> memref<200x64xf32, #tpu.memory_space<vmem>>
    %dma_start3A_28 = arith.constant 0 : i32
    %dma_start3A_29 = tpu.memref_slice %arg5[%dma_start3A_24, %dma_start3A_28] : memref<4x200xi32, #tpu.memory_space<vmem>> -> memref<1x200xi32, #tpu.memory_space<vmem>>
    %dma_start3A_30 = tpu.memref_squeeze %dma_start3A_29 : memref<1x200xi32, #tpu.memory_space<vmem>> -> memref<200xi32, #tpu.memory_space<vmem>>
    %dma_start3A_31 = arith.constant 0 : i32
    %dma_start3A_32 = arith.constant 0 : i32
    %dma_start3A_33 = tpu.memref_slice %arg2[%dma_start3A_31, %dma_start3A_32] : memref<100000x64xf32, #tpu.memory_space<hbm>> -> memref<100000x64xf32, #tpu.memory_space<hbm>>
    tpu.enqueue_indirect_dma source(%dma_start3A_33 : memref<100000x64xf32, #tpu.memory_space<hbm>>) target(%dma_start3A_27 : memref<200x64xf32, #tpu.memory_space<vmem>>) offsets(%dma_start3A_30 : memref<200xi32, #tpu.memory_space<vmem>>) semaphore(%arg9 : memref<!tpu.dma_semaphore, #tpu.memory_space<semaphore_mem>>)
    %dma_start3A_34 = arith.constant 3 : i32
    %dma_start3A_35 = arith.constant 600 : i32
    %dma_start3A_36 = arith.constant 0 : i32
    %dma_start3A_37 = tpu.memref_slice %arg7[%dma_start3A_35, %dma_start3A_36] : memref<800x64xf32, #tpu.memory_space<vmem>> -> memref<200x64xf32, #tpu.memory_space<vmem>>
    %dma_start3A_38 = arith.constant 0 : i32
    %dma_start3A_39 = tpu.memref_slice %arg5[%dma_start3A_34, %dma_start3A_38] : memref<4x200xi32, #tpu.memory_space<vmem>> -> memref<1x200xi32, #tpu.memory_space<vmem>>
    %dma_start3A_40 = tpu.memref_squeeze %dma_start3A_39 : memref<1x200xi32, #tpu.memory_space<vmem>> -> memref<200xi32, #tpu.memory_space<vmem>>
    %dma_start3A_41 = arith.constant 0 : i32
    %dma_start3A_42 = arith.constant 0 : i32
    %dma_start3A_43 = tpu.memref_slice %arg2[%dma_start3A_41, %dma_start3A_42] : memref<100000x64xf32, #tpu.memory_space<hbm>> -> memref<100000x64xf32, #tpu.memory_space<hbm>>
    tpu.enqueue_indirect_dma source(%dma_start3A_43 : memref<100000x64xf32, #tpu.memory_space<hbm>>) target(%dma_start3A_37 : memref<200x64xf32, #tpu.memory_space<vmem>>) offsets(%dma_start3A_40 : memref<200xi32, #tpu.memory_space<vmem>>) semaphore(%arg9 : memref<!tpu.dma_semaphore, #tpu.memory_space<semaphore_mem>>)
    %scan3A = arith.constant 0 : i32
    %scan3A_44 = arith.constant 0 : i32
    %scan3A_45 = arith.constant 16 : i32
    %scan3A_46 = arith.addi %scan3A_44, %scan3A_45 : i32
    %scan3A_47 = arith.constant 1 : i32
    scf.for %scan3A_49 = %scan3A_44 to %scan3A_46 step %scan3A_47  : i32 {
      %mul3A_50 = arith.constant 2 : i32
      %mul3A_51 = arith.muli %mul3A_50, %scan3A_49 : i32
      %add3A_52 = arith.constant 1 : i32
      %add3A_53 = arith.addi %mul3A_51, %add3A_52 : i32
      %mul3A_54 = arith.constant 4 : i32
      %mul3A_55 = arith.muli %add3A_53, %mul3A_54 : i32
      %add3A_56 = arith.addi %mul3A_2, %mul3A_55 : i32
      %multiple_of3A_57 = tpu.assume_multiple %add3A_56, 4 : i32
      "tpu.region"() ({
        %run_scoped3A = tpu.sem_alloc : memref<!tpu.dma_semaphore, #tpu.memory_space<semaphore_mem>>
        %dma_start3A_153 = arith.constant 0 : i32
        %dma_start3A_154 = tpu.memref_slice %arg3[%multiple_of3A_57, %dma_start3A_153] : memref<4096x200xi32, #tpu.memory_space<hbm>> -> memref<4x200xi32, #tpu.memory_space<hbm>>
        %dma_start3A_155 = arith.constant 0 : i32
        %dma_start3A_156 = tpu.memref_slice %arg3[%multiple_of3A_57, %dma_start3A_155] : memref<4096x200xi32, #tpu.memory_space<hbm>> -> memref<4x200xi32, #tpu.memory_space<hbm>>
        tpu.enqueue_dma source(%dma_start3A_156 : memref<4x200xi32, #tpu.memory_space<hbm>>) target(%arg6 : memref<4x200xi32, #tpu.memory_space<vmem>>) target_semaphore(%run_scoped3A : memref<!tpu.dma_semaphore, #tpu.memory_space<semaphore_mem>>)
        %dma_wait3A_157 = arith.constant 0 : i32
        %dma_wait3A_158 = tpu.memref_slice %arg3[%multiple_of3A_57, %dma_wait3A_157] : memref<4096x200xi32, #tpu.memory_space<hbm>> -> memref<4x200xi32, #tpu.memory_space<hbm>>
        %dma_wait3A_159 = arith.constant 0 : i32
        %dma_wait3A_160 = tpu.memref_slice %arg3[%multiple_of3A_57, %dma_wait3A_159] : memref<4096x200xi32, #tpu.memory_space<hbm>> -> memref<4x200xi32, #tpu.memory_space<hbm>>
        tpu.wait_dma2 semaphore(%run_scoped3A : memref<!tpu.dma_semaphore, #tpu.memory_space<semaphore_mem>>) src(%dma_wait3A_160 : memref<4x200xi32, #tpu.memory_space<hbm>>) dst(%arg6 : memref<4x200xi32, #tpu.memory_space<vmem>>)
        tpu.yield
      }) : () -> ()
      %dma_start3A_58 = arith.constant 0 : i32
      %dma_start3A_59 = arith.constant 0 : i32
      %dma_start3A_60 = arith.constant 0 : i32
      %dma_start3A_61 = tpu.memref_slice %arg8[%dma_start3A_59, %dma_start3A_60] : memref<800x64xf32, #tpu.memory_space<vmem>> -> memref<200x64xf32, #tpu.memory_space<vmem>>
      %dma_start3A_62 = arith.constant 0 : i32
      %dma_start3A_63 = tpu.memref_slice %arg6[%dma_start3A_58, %dma_start3A_62] : memref<4x200xi32, #tpu.memory_space<vmem>> -> memref<1x200xi32, #tpu.memory_space<vmem>>
      %dma_start3A_64 = tpu.memref_squeeze %dma_start3A_63 : memref<1x200xi32, #tpu.memory_space<vmem>> -> memref<200xi32, #tpu.memory_space<vmem>>
      %dma_start3A_65 = arith.constant 0 : i32
      %dma_start3A_66 = arith.constant 0 : i32
      %dma_start3A_67 = tpu.memref_slice %arg2[%dma_start3A_65, %dma_start3A_66] : memref<100000x64xf32, #tpu.memory_space<hbm>> -> memref<100000x64xf32, #tpu.memory_space<hbm>>
      tpu.enqueue_indirect_dma source(%dma_start3A_67 : memref<100000x64xf32, #tpu.memory_space<hbm>>) target(%dma_start3A_61 : memref<200x64xf32, #tpu.memory_space<vmem>>) offsets(%dma_start3A_64 : memref<200xi32, #tpu.memory_space<vmem>>) semaphore(%arg10 : memref<!tpu.dma_semaphore, #tpu.memory_space<semaphore_mem>>)
      %dma_start3A_68 = arith.constant 1 : i32
      %dma_start3A_69 = arith.constant 200 : i32
      %dma_start3A_70 = arith.constant 0 : i32
      %dma_start3A_71 = tpu.memref_slice %arg8[%dma_start3A_69, %dma_start3A_70] : memref<800x64xf32, #tpu.memory_space<vmem>> -> memref<200x64xf32, #tpu.memory_space<vmem>>
      %dma_start3A_72 = arith.constant 0 : i32
      %dma_start3A_73 = tpu.memref_slice %arg6[%dma_start3A_68, %dma_start3A_72] : memref<4x200xi32, #tpu.memory_space<vmem>> -> memref<1x200xi32, #tpu.memory_space<vmem>>
      %dma_start3A_74 = tpu.memref_squeeze %dma_start3A_73 : memref<1x200xi32, #tpu.memory_space<vmem>> -> memref<200xi32, #tpu.memory_space<vmem>>
      %dma_start3A_75 = arith.constant 0 : i32
      %dma_start3A_76 = arith.constant 0 : i32
      %dma_start3A_77 = tpu.memref_slice %arg2[%dma_start3A_75, %dma_start3A_76] : memref<100000x64xf32, #tpu.memory_space<hbm>> -> memref<100000x64xf32, #tpu.memory_space<hbm>>
      tpu.enqueue_indirect_dma source(%dma_start3A_77 : memref<100000x64xf32, #tpu.memory_space<hbm>>) target(%dma_start3A_71 : memref<200x64xf32, #tpu.memory_space<vmem>>) offsets(%dma_start3A_74 : memref<200xi32, #tpu.memory_space<vmem>>) semaphore(%arg10 : memref<!tpu.dma_semaphore, #tpu.memory_space<semaphore_mem>>)
      %dma_start3A_78 = arith.constant 2 : i32
      %dma_start3A_79 = arith.constant 400 : i32
      %dma_start3A_80 = arith.constant 0 : i32
      %dma_start3A_81 = tpu.memref_slice %arg8[%dma_start3A_79, %dma_start3A_80] : memref<800x64xf32, #tpu.memory_space<vmem>> -> memref<200x64xf32, #tpu.memory_space<vmem>>
      %dma_start3A_82 = arith.constant 0 : i32
      %dma_start3A_83 = tpu.memref_slice %arg6[%dma_start3A_78, %dma_start3A_82] : memref<4x200xi32, #tpu.memory_space<vmem>> -> memref<1x200xi32, #tpu.memory_space<vmem>>
      %dma_start3A_84 = tpu.memref_squeeze %dma_start3A_83 : memref<1x200xi32, #tpu.memory_space<vmem>> -> memref<200xi32, #tpu.memory_space<vmem>>
      %dma_start3A_85 = arith.constant 0 : i32
      %dma_start3A_86 = arith.constant 0 : i32
      %dma_start3A_87 = tpu.memref_slice %arg2[%dma_start3A_85, %dma_start3A_86] : memref<100000x64xf32, #tpu.memory_space<hbm>> -> memref<100000x64xf32, #tpu.memory_space<hbm>>
      tpu.enqueue_indirect_dma source(%dma_start3A_87 : memref<100000x64xf32, #tpu.memory_space<hbm>>) target(%dma_start3A_81 : memref<200x64xf32, #tpu.memory_space<vmem>>) offsets(%dma_start3A_84 : memref<200xi32, #tpu.memory_space<vmem>>) semaphore(%arg10 : memref<!tpu.dma_semaphore, #tpu.memory_space<semaphore_mem>>)
      %dma_start3A_88 = arith.constant 3 : i32
      %dma_start3A_89 = arith.constant 600 : i32
      %dma_start3A_90 = arith.constant 0 : i32
      %dma_start3A_91 = tpu.memref_slice %arg8[%dma_start3A_89, %dma_start3A_90] : memref<800x64xf32, #tpu.memory_space<vmem>> -> memref<200x64xf32, #tpu.memory_space<vmem>>
      %dma_start3A_92 = arith.constant 0 : i32
      %dma_start3A_93 = tpu.memref_slice %arg6[%dma_start3A_88, %dma_start3A_92] : memref<4x200xi32, #tpu.memory_space<vmem>> -> memref<1x200xi32, #tpu.memory_space<vmem>>
      %dma_start3A_94 = tpu.memref_squeeze %dma_start3A_93 : memref<1x200xi32, #tpu.memory_space<vmem>> -> memref<200xi32, #tpu.memory_space<vmem>>
      %dma_start3A_95 = arith.constant 0 : i32
      %dma_start3A_96 = arith.constant 0 : i32
      %dma_start3A_97 = tpu.memref_slice %arg2[%dma_start3A_95, %dma_start3A_96] : memref<100000x64xf32, #tpu.memory_space<hbm>> -> memref<100000x64xf32, #tpu.memory_space<hbm>>
      tpu.enqueue_indirect_dma source(%dma_start3A_97 : memref<100000x64xf32, #tpu.memory_space<hbm>>) target(%dma_start3A_91 : memref<200x64xf32, #tpu.memory_space<vmem>>) offsets(%dma_start3A_94 : memref<200xi32, #tpu.memory_space<vmem>>) semaphore(%arg10 : memref<!tpu.dma_semaphore, #tpu.memory_space<semaphore_mem>>)
      %dma_wait3A = arith.constant 0 : i32
      %dma_wait3A_98 = arith.constant 0 : i32
      %dma_wait3A_99 = tpu.memref_slice %arg2[%dma_wait3A, %dma_wait3A_98] : memref<100000x64xf32, #tpu.memory_space<hbm>> -> memref<800x64xf32, #tpu.memory_space<hbm>>
      %dma_wait3A_100 = arith.constant 0 : i32
      %dma_wait3A_101 = arith.constant 0 : i32
      %dma_wait3A_102 = tpu.memref_slice %arg2[%dma_wait3A_100, %dma_wait3A_101] : memref<100000x64xf32, #tpu.memory_space<hbm>> -> memref<800x64xf32, #tpu.memory_space<hbm>>
      tpu.wait_dma2 semaphore(%arg9 : memref<!tpu.dma_semaphore, #tpu.memory_space<semaphore_mem>>) src(%dma_wait3A_102 : memref<800x64xf32, #tpu.memory_space<hbm>>) dst(%arg7 : memref<800x64xf32, #tpu.memory_space<vmem>>)
      %mul3A_103 = arith.constant 4 : i32
      %mul3A_104 = arith.muli %mul3A_51, %mul3A_103 : i32
      %add3A_105 = arith.addi %mul3A_2, %mul3A_104 : i32
      %multiple_of3A_106 = tpu.assume_multiple %add3A_105, 4 : i32
      %add3A_107 = arith.constant 0 : i32
      %add3A_108 = arith.addi %multiple_of3A_106, %add3A_107 : i32
      "tpu.region"() ({
        %run_scoped3A = tpu.sem_alloc : memref<!tpu.dma_semaphore, #tpu.memory_space<semaphore_mem>>
        %dma_start3A_153 = arith.constant 0 : i32
        %dma_start3A_154 = arith.constant 0 : i32
        %dma_start3A_155 = tpu.memref_slice %arg7[%dma_start3A_153, %dma_start3A_154] : memref<800x64xf32, #tpu.memory_space<vmem>> -> memref<100x64xf32, #tpu.memory_space<vmem>>
        %dma_start3A_156 = arith.constant 0 : i32
        %dma_start3A_157 = arith.constant 0 : i32
        %dma_start3A_158 = tpu.memref_slice %arg4[%dma_start3A_156, %add3A_108, %dma_start3A_157] : memref<100x4096x128xf32, #tpu.memory_space<hbm>> -> memref<100x1x64xf32, #tpu.memory_space<hbm>>
        %dma_start3A_159 = tpu.memref_squeeze %dma_start3A_158 : memref<100x1x64xf32, #tpu.memory_space<hbm>> -> memref<100x64xf32, #tpu.memory_space<hbm>>
        %dma_start3A_160 = arith.constant 0 : i32
        %dma_start3A_161 = arith.constant 0 : i32
        %dma_start3A_162 = tpu.memref_slice %arg4[%dma_start3A_160, %add3A_108, %dma_start3A_161] : memref<100x4096x128xf32, #tpu.memory_space<hbm>> -> memref<100x1x64xf32, #tpu.memory_space<hbm>>
        %dma_start3A_163 = tpu.memref_squeeze %dma_start3A_162 : memref<100x1x64xf32, #tpu.memory_space<hbm>> -> memref<100x64xf32, #tpu.memory_space<hbm>>
        %dma_start3A_164 = arith.constant 0 : i32
        %dma_start3A_165 = arith.constant 0 : i32
        %dma_start3A_166 = tpu.memref_slice %arg7[%dma_start3A_164, %dma_start3A_165] : memref<800x64xf32, #tpu.memory_space<vmem>> -> memref<100x64xf32, #tpu.memory_space<vmem>>
        tpu.enqueue_dma source(%dma_start3A_166 : memref<100x64xf32, #tpu.memory_space<vmem>>) target(%dma_start3A_163 : memref<100x64xf32, #tpu.memory_space<hbm>>) target_semaphore(%run_scoped3A : memref<!tpu.dma_semaphore, #tpu.memory_space<semaphore_mem>>)
        %dma_wait3A_167 = arith.constant 0 : i32
        %dma_wait3A_168 = arith.constant 0 : i32
        %dma_wait3A_169 = tpu.memref_slice %arg7[%dma_wait3A_167, %dma_wait3A_168] : memref<800x64xf32, #tpu.memory_space<vmem>> -> memref<100x64xf32, #tpu.memory_space<vmem>>
        %dma_wait3A_170 = arith.constant 0 : i32
        %dma_wait3A_171 = arith.constant 0 : i32
        %dma_wait3A_172 = tpu.memref_slice %arg4[%dma_wait3A_170, %add3A_108, %dma_wait3A_171] : memref<100x4096x128xf32, #tpu.memory_space<hbm>> -> memref<100x1x64xf32, #tpu.memory_space<hbm>>
        %dma_wait3A_173 = tpu.memref_squeeze %dma_wait3A_172 : memref<100x1x64xf32, #tpu.memory_space<hbm>> -> memref<100x64xf32, #tpu.memory_space<hbm>>
        %dma_wait3A_174 = arith.constant 0 : i32
        %dma_wait3A_175 = arith.constant 0 : i32
        %dma_wait3A_176 = tpu.memref_slice %arg4[%dma_wait3A_174, %add3A_108, %dma_wait3A_175] : memref<100x4096x128xf32, #tpu.memory_space<hbm>> -> memref<100x1x64xf32, #tpu.memory_space<hbm>>
        %dma_wait3A_177 = tpu.memref_squeeze %dma_wait3A_176 : memref<100x1x64xf32, #tpu.memory_space<hbm>> -> memref<100x64xf32, #tpu.memory_space<hbm>>
        %dma_wait3A_178 = arith.constant 0 : i32
        %dma_wait3A_179 = arith.constant 0 : i32
        %dma_wait3A_180 = tpu.memref_slice %arg7[%dma_wait3A_178, %dma_wait3A_179] : memref<800x64xf32, #tpu.memory_space<vmem>> -> memref<100x64xf32, #tpu.memory_space<vmem>>
        tpu.wait_dma2 semaphore(%run_scoped3A : memref<!tpu.dma_semaphore, #tpu.memory_space<semaphore_mem>>) src(%dma_wait3A_180 : memref<100x64xf32, #tpu.memory_space<vmem>>) dst(%dma_wait3A_177 : memref<100x64xf32, #tpu.memory_space<hbm>>)
        tpu.yield
      }) : () -> ()
      %add3A_109 = arith.constant 0 : i32
      %add3A_110 = arith.addi %multiple_of3A_106, %add3A_109 : i32
      "tpu.region"() ({
        %run_scoped3A = tpu.sem_alloc : memref<!tpu.dma_semaphore, #tpu.memory_space<semaphore_mem>>
        %dma_start3A_153 = arith.constant 100 : i32
        %dma_start3A_154 = arith.constant 0 : i32
        %dma_start3A_155 = tpu.memref_slice %arg7[%dma_start3A_153, %dma_start3A_154] : memref<800x64xf32, #tpu.memory_space<vmem>> -> memref<100x64xf32, #tpu.memory_space<vmem>>
        %dma_start3A_156 = arith.constant 0 : i32
        %dma_start3A_157 = arith.constant 64 : i32
        %dma_start3A_158 = tpu.memref_slice %arg4[%dma_start3A_156, %add3A_110, %dma_start3A_157] : memref<100x4096x128xf32, #tpu.memory_space<hbm>> -> memref<100x1x64xf32, #tpu.memory_space<hbm>>
        %dma_start3A_159 = tpu.memref_squeeze %dma_start3A_158 : memref<100x1x64xf32, #tpu.memory_space<hbm>> -> memref<100x64xf32, #tpu.memory_space<hbm>>
        %dma_start3A_160 = arith.constant 0 : i32
        %dma_start3A_161 = arith.constant 64 : i32
        %dma_start3A_162 = tpu.memref_slice %arg4[%dma_start3A_160, %add3A_110, %dma_start3A_161] : memref<100x4096x128xf32, #tpu.memory_space<hbm>> -> memref<100x1x64xf32, #tpu.memory_space<hbm>>
        %dma_start3A_163 = tpu.memref_squeeze %dma_start3A_162 : memref<100x1x64xf32, #tpu.memory_space<hbm>> -> memref<100x64xf32, #tpu.memory_space<hbm>>
        %dma_start3A_164 = arith.constant 100 : i32
        %dma_start3A_165 = arith.constant 0 : i32
        %dma_start3A_166 = tpu.memref_slice %arg7[%dma_start3A_164, %dma_start3A_165] : memref<800x64xf32, #tpu.memory_space<vmem>> -> memref<100x64xf32, #tpu.memory_space<vmem>>
        tpu.enqueue_dma source(%dma_start3A_166 : memref<100x64xf32, #tpu.memory_space<vmem>>) target(%dma_start3A_163 : memref<100x64xf32, #tpu.memory_space<hbm>>) target_semaphore(%run_scoped3A : memref<!tpu.dma_semaphore, #tpu.memory_space<semaphore_mem>>)
        %dma_wait3A_167 = arith.constant 100 : i32
        %dma_wait3A_168 = arith.constant 0 : i32
        %dma_wait3A_169 = tpu.memref_slice %arg7[%dma_wait3A_167, %dma_wait3A_168] : memref<800x64xf32, #tpu.memory_space<vmem>> -> memref<100x64xf32, #tpu.memory_space<vmem>>
        %dma_wait3A_170 = arith.constant 0 : i32
        %dma_wait3A_171 = arith.constant 64 : i32
        %dma_wait3A_172 = tpu.memref_slice %arg4[%dma_wait3A_170, %add3A_110, %dma_wait3A_171] : memref<100x4096x128xf32, #tpu.memory_space<hbm>> -> memref<100x1x64xf32, #tpu.memory_space<hbm>>
        %dma_wait3A_173 = tpu.memref_squeeze %dma_wait3A_172 : memref<100x1x64xf32, #tpu.memory_space<hbm>> -> memref<100x64xf32, #tpu.memory_space<hbm>>
        %dma_wait3A_174 = arith.constant 0 : i32
        %dma_wait3A_175 = arith.constant 64 : i32
        %dma_wait3A_176 = tpu.memref_slice %arg4[%dma_wait3A_174, %add3A_110, %dma_wait3A_175] : memref<100x4096x128xf32, #tpu.memory_space<hbm>> -> memref<100x1x64xf32, #tpu.memory_space<hbm>>
        %dma_wait3A_177 = tpu.memref_squeeze %dma_wait3A_176 : memref<100x1x64xf32, #tpu.memory_space<hbm>> -> memref<100x64xf32, #tpu.memory_space<hbm>>
        %dma_wait3A_178 = arith.constant 100 : i32
        %dma_wait3A_179 = arith.constant 0 : i32
        %dma_wait3A_180 = tpu.memref_slice %arg7[%dma_wait3A_178, %dma_wait3A_179] : memref<800x64xf32, #tpu.memory_space<vmem>> -> memref<100x64xf32, #tpu.memory_space<vmem>>
        tpu.wait_dma2 semaphore(%run_scoped3A : memref<!tpu.dma_semaphore, #tpu.memory_space<semaphore_mem>>) src(%dma_wait3A_180 : memref<100x64xf32, #tpu.memory_space<vmem>>) dst(%dma_wait3A_177 : memref<100x64xf32, #tpu.memory_space<hbm>>)
        tpu.yield
      }) : () -> ()
      %add3A_111 = arith.constant 1 : i32
      %add3A_112 = arith.addi %multiple_of3A_106, %add3A_111 : i32
      "tpu.region"() ({
        %run_scoped3A = tpu.sem_alloc : memref<!tpu.dma_semaphore, #tpu.memory_space<semaphore_mem>>
        %dma_start3A_153 = arith.constant 200 : i32
        %dma_start3A_154 = arith.constant 0 : i32
        %dma_start3A_155 = tpu.memref_slice %arg7[%dma_start3A_153, %dma_start3A_154] : memref<800x64xf32, #tpu.memory_space<vmem>> -> memref<100x64xf32, #tpu.memory_space<vmem>>
        %dma_start3A_156 = arith.constant 0 : i32
        %dma_start3A_157 = arith.constant 0 : i32
        %dma_start3A_158 = tpu.memref_slice %arg4[%dma_start3A_156, %add3A_112, %dma_start3A_157] : memref<100x4096x128xf32, #tpu.memory_space<hbm>> -> memref<100x1x64xf32, #tpu.memory_space<hbm>>
        %dma_start3A_159 = tpu.memref_squeeze %dma_start3A_158 : memref<100x1x64xf32, #tpu.memory_space<hbm>> -> memref<100x64xf32, #tpu.memory_space<hbm>>
        %dma_start3A_160 = arith.constant 0 : i32
        %dma_start3A_161 = arith.constant 0 : i32
        %dma_start3A_162 = tpu.memref_slice %arg4[%dma_start3A_160, %add3A_112, %dma_start3A_161] : memref<100x4096x128xf32, #tpu.memory_space<hbm>> -> memref<100x1x64xf32, #tpu.memory_space<hbm>>
        %dma_start3A_163 = tpu.memref_squeeze %dma_start3A_162 : memref<100x1x64xf32, #tpu.memory_space<hbm>> -> memref<100x64xf32, #tpu.memory_space<hbm>>
        %dma_start3A_164 = arith.constant 200 : i32
        %dma_start3A_165 = arith.constant 0 : i32
        %dma_start3A_166 = tpu.memref_slice %arg7[%dma_start3A_164, %dma_start3A_165] : memref<800x64xf32, #tpu.memory_space<vmem>> -> memref<100x64xf32, #tpu.memory_space<vmem>>
        tpu.enqueue_dma source(%dma_start3A_166 : memref<100x64xf32, #tpu.memory_space<vmem>>) target(%dma_start3A_163 : memref<100x64xf32, #tpu.memory_space<hbm>>) target_semaphore(%run_scoped3A : memref<!tpu.dma_semaphore, #tpu.memory_space<semaphore_mem>>)
        %dma_wait3A_167 = arith.constant 200 : i32
        %dma_wait3A_168 = arith.constant 0 : i32
        %dma_wait3A_169 = tpu.memref_slice %arg7[%dma_wait3A_167, %dma_wait3A_168] : memref<800x64xf32, #tpu.memory_space<vmem>> -> memref<100x64xf32, #tpu.memory_space<vmem>>
        %dma_wait3A_170 = arith.constant 0 : i32
        %dma_wait3A_171 = arith.constant 0 : i32
        %dma_wait3A_172 = tpu.memref_slice %arg4[%dma_wait3A_170, %add3A_112, %dma_wait3A_171] : memref<100x4096x128xf32, #tpu.memory_space<hbm>> -> memref<100x1x64xf32, #tpu.memory_space<hbm>>
        %dma_wait3A_173 = tpu.memref_squeeze %dma_wait3A_172 : memref<100x1x64xf32, #tpu.memory_space<hbm>> -> memref<100x64xf32, #tpu.memory_space<hbm>>
        %dma_wait3A_174 = arith.constant 0 : i32
        %dma_wait3A_175 = arith.constant 0 : i32
        %dma_wait3A_176 = tpu.memref_slice %arg4[%dma_wait3A_174, %add3A_112, %dma_wait3A_175] : memref<100x4096x128xf32, #tpu.memory_space<hbm>> -> memref<100x1x64xf32, #tpu.memory_space<hbm>>
        %dma_wait3A_177 = tpu.memref_squeeze %dma_wait3A_176 : memref<100x1x64xf32, #tpu.memory_space<hbm>> -> memref<100x64xf32, #tpu.memory_space<hbm>>
        %dma_wait3A_178 = arith.constant 200 : i32
        %dma_wait3A_179 = arith.constant 0 : i32
        %dma_wait3A_180 = tpu.memref_slice %arg7[%dma_wait3A_178, %dma_wait3A_179] : memref<800x64xf32, #tpu.memory_space<vmem>> -> memref<100x64xf32, #tpu.memory_space<vmem>>
        tpu.wait_dma2 semaphore(%run_scoped3A : memref<!tpu.dma_semaphore, #tpu.memory_space<semaphore_mem>>) src(%dma_wait3A_180 : memref<100x64xf32, #tpu.memory_space<vmem>>) dst(%dma_wait3A_177 : memref<100x64xf32, #tpu.memory_space<hbm>>)
        tpu.yield
      }) : () -> ()
      %add3A_113 = arith.constant 1 : i32
      %add3A_114 = arith.addi %multiple_of3A_106, %add3A_113 : i32
      "tpu.region"() ({
        %run_scoped3A = tpu.sem_alloc : memref<!tpu.dma_semaphore, #tpu.memory_space<semaphore_mem>>
        %dma_start3A_153 = arith.constant 300 : i32
        %dma_start3A_154 = arith.constant 0 : i32
        %dma_start3A_155 = tpu.memref_slice %arg7[%dma_start3A_153, %dma_start3A_154] : memref<800x64xf32, #tpu.memory_space<vmem>> -> memref<100x64xf32, #tpu.memory_space<vmem>>
        %dma_start3A_156 = arith.constant 0 : i32
        %dma_start3A_157 = arith.constant 64 : i32
        %dma_start3A_158 = tpu.memref_slice %arg4[%dma_start3A_156, %add3A_114, %dma_start3A_157] : memref<100x4096x128xf32, #tpu.memory_space<hbm>> -> memref<100x1x64xf32, #tpu.memory_space<hbm>>
        %dma_start3A_159 = tpu.memref_squeeze %dma_start3A_158 : memref<100x1x64xf32, #tpu.memory_space<hbm>> -> memref<100x64xf32, #tpu.memory_space<hbm>>
        %dma_start3A_160 = arith.constant 0 : i32
        %dma_start3A_161 = arith.constant 64 : i32
        %dma_start3A_162 = tpu.memref_slice %arg4[%dma_start3A_160, %add3A_114, %dma_start3A_161] : memref<100x4096x128xf32, #tpu.memory_space<hbm>> -> memref<100x1x64xf32, #tpu.memory_space<hbm>>
        %dma_start3A_163 = tpu.memref_squeeze %dma_start3A_162 : memref<100x1x64xf32, #tpu.memory_space<hbm>> -> memref<100x64xf32, #tpu.memory_space<hbm>>
        %dma_start3A_164 = arith.constant 300 : i32
        %dma_start3A_165 = arith.constant 0 : i32
        %dma_start3A_166 = tpu.memref_slice %arg7[%dma_start3A_164, %dma_start3A_165] : memref<800x64xf32, #tpu.memory_space<vmem>> -> memref<100x64xf32, #tpu.memory_space<vmem>>
        tpu.enqueue_dma source(%dma_start3A_166 : memref<100x64xf32, #tpu.memory_space<vmem>>) target(%dma_start3A_163 : memref<100x64xf32, #tpu.memory_space<hbm>>) target_semaphore(%run_scoped3A : memref<!tpu.dma_semaphore, #tpu.memory_space<semaphore_mem>>)
        %dma_wait3A_167 = arith.constant 300 : i32
        %dma_wait3A_168 = arith.constant 0 : i32
        %dma_wait3A_169 = tpu.memref_slice %arg7[%dma_wait3A_167, %dma_wait3A_168] : memref<800x64xf32, #tpu.memory_space<vmem>> -> memref<100x64xf32, #tpu.memory_space<vmem>>
        %dma_wait3A_170 = arith.constant 0 : i32
        %dma_wait3A_171 = arith.constant 64 : i32
        %dma_wait3A_172 = tpu.memref_slice %arg4[%dma_wait3A_170, %add3A_114, %dma_wait3A_171] : memref<100x4096x128xf32, #tpu.memory_space<hbm>> -> memref<100x1x64xf32, #tpu.memory_space<hbm>>
        %dma_wait3A_173 = tpu.memref_squeeze %dma_wait3A_172 : memref<100x1x64xf32, #tpu.memory_space<hbm>> -> memref<100x64xf32, #tpu.memory_space<hbm>>
        %dma_wait3A_174 = arith.constant 0 : i32
        %dma_wait3A_175 = arith.constant 64 : i32
        %dma_wait3A_176 = tpu.memref_slice %arg4[%dma_wait3A_174, %add3A_114, %dma_wait3A_175] : memref<100x4096x128xf32, #tpu.memory_space<hbm>> -> memref<100x1x64xf32, #tpu.memory_space<hbm>>
        %dma_wait3A_177 = tpu.memref_squeeze %dma_wait3A_176 : memref<100x1x64xf32, #tpu.memory_space<hbm>> -> memref<100x64xf32, #tpu.memory_space<hbm>>
        %dma_wait3A_178 = arith.constant 300 : i32
        %dma_wait3A_179 = arith.constant 0 : i32
        %dma_wait3A_180 = tpu.memref_slice %arg7[%dma_wait3A_178, %dma_wait3A_179] : memref<800x64xf32, #tpu.memory_space<vmem>> -> memref<100x64xf32, #tpu.memory_space<vmem>>
        tpu.wait_dma2 semaphore(%run_scoped3A : memref<!tpu.dma_semaphore, #tpu.memory_space<semaphore_mem>>) src(%dma_wait3A_180 : memref<100x64xf32, #tpu.memory_space<vmem>>) dst(%dma_wait3A_177 : memref<100x64xf32, #tpu.memory_space<hbm>>)
        tpu.yield
      }) : () -> ()
      %add3A_115 = arith.constant 2 : i32
      %add3A_116 = arith.addi %multiple_of3A_106, %add3A_115 : i32
      "tpu.region"() ({
        %run_scoped3A = tpu.sem_alloc : memref<!tpu.dma_semaphore, #tpu.memory_space<semaphore_mem>>
        %dma_start3A_153 = arith.constant 400 : i32
        %dma_start3A_154 = arith.constant 0 : i32
        %dma_start3A_155 = tpu.memref_slice %arg7[%dma_start3A_153, %dma_start3A_154] : memref<800x64xf32, #tpu.memory_space<vmem>> -> memref<100x64xf32, #tpu.memory_space<vmem>>
        %dma_start3A_156 = arith.constant 0 : i32
        %dma_start3A_157 = arith.constant 0 : i32
        %dma_start3A_158 = tpu.memref_slice %arg4[%dma_start3A_156, %add3A_116, %dma_start3A_157] : memref<100x4096x128xf32, #tpu.memory_space<hbm>> -> memref<100x1x64xf32, #tpu.memory_space<hbm>>
        %dma_start3A_159 = tpu.memref_squeeze %dma_start3A_158 : memref<100x1x64xf32, #tpu.memory_space<hbm>> -> memref<100x64xf32, #tpu.memory_space<hbm>>
        %dma_start3A_160 = arith.constant 0 : i32
        %dma_start3A_161 = arith.constant 0 : i32
        %dma_start3A_162 = tpu.memref_slice %arg4[%dma_start3A_160, %add3A_116, %dma_start3A_161] : memref<100x4096x128xf32, #tpu.memory_space<hbm>> -> memref<100x1x64xf32, #tpu.memory_space<hbm>>
        %dma_start3A_163 = tpu.memref_squeeze %dma_start3A_162 : memref<100x1x64xf32, #tpu.memory_space<hbm>> -> memref<100x64xf32, #tpu.memory_space<hbm>>
        %dma_start3A_164 = arith.constant 400 : i32
        %dma_start3A_165 = arith.constant 0 : i32
        %dma_start3A_166 = tpu.memref_slice %arg7[%dma_start3A_164, %dma_start3A_165] : memref<800x64xf32, #tpu.memory_space<vmem>> -> memref<100x64xf32, #tpu.memory_space<vmem>>
        tpu.enqueue_dma source(%dma_start3A_166 : memref<100x64xf32, #tpu.memory_space<vmem>>) target(%dma_start3A_163 : memref<100x64xf32, #tpu.memory_space<hbm>>) target_semaphore(%run_scoped3A : memref<!tpu.dma_semaphore, #tpu.memory_space<semaphore_mem>>)
        %dma_wait3A_167 = arith.constant 400 : i32
        %dma_wait3A_168 = arith.constant 0 : i32
        %dma_wait3A_169 = tpu.memref_slice %arg7[%dma_wait3A_167, %dma_wait3A_168] : memref<800x64xf32, #tpu.memory_space<vmem>> -> memref<100x64xf32, #tpu.memory_space<vmem>>
        %dma_wait3A_170 = arith.constant 0 : i32
        %dma_wait3A_171 = arith.constant 0 : i32
        %dma_wait3A_172 = tpu.memref_slice %arg4[%dma_wait3A_170, %add3A_116, %dma_wait3A_171] : memref<100x4096x128xf32, #tpu.memory_space<hbm>> -> memref<100x1x64xf32, #tpu.memory_space<hbm>>
        %dma_wait3A_173 = tpu.memref_squeeze %dma_wait3A_172 : memref<100x1x64xf32, #tpu.memory_space<hbm>> -> memref<100x64xf32, #tpu.memory_space<hbm>>
        %dma_wait3A_174 = arith.constant 0 : i32
        %dma_wait3A_175 = arith.constant 0 : i32
        %dma_wait3A_176 = tpu.memref_slice %arg4[%dma_wait3A_174, %add3A_116, %dma_wait3A_175] : memref<100x4096x128xf32, #tpu.memory_space<hbm>> -> memref<100x1x64xf32, #tpu.memory_space<hbm>>
        %dma_wait3A_177 = tpu.memref_squeeze %dma_wait3A_176 : memref<100x1x64xf32, #tpu.memory_space<hbm>> -> memref<100x64xf32, #tpu.memory_space<hbm>>
        %dma_wait3A_178 = arith.constant 400 : i32
        %dma_wait3A_179 = arith.constant 0 : i32
        %dma_wait3A_180 = tpu.memref_slice %arg7[%dma_wait3A_178, %dma_wait3A_179] : memref<800x64xf32, #tpu.memory_space<vmem>> -> memref<100x64xf32, #tpu.memory_space<vmem>>
        tpu.wait_dma2 semaphore(%run_scoped3A : memref<!tpu.dma_semaphore, #tpu.memory_space<semaphore_mem>>) src(%dma_wait3A_180 : memref<100x64xf32, #tpu.memory_space<vmem>>) dst(%dma_wait3A_177 : memref<100x64xf32, #tpu.memory_space<hbm>>)
        tpu.yield
      }) : () -> ()
      %add3A_117 = arith.constant 2 : i32
      %add3A_118 = arith.addi %multiple_of3A_106, %add3A_117 : i32
      "tpu.region"() ({
        %run_scoped3A = tpu.sem_alloc : memref<!tpu.dma_semaphore, #tpu.memory_space<semaphore_mem>>
        %dma_start3A_153 = arith.constant 500 : i32
        %dma_start3A_154 = arith.constant 0 : i32
        %dma_start3A_155 = tpu.memref_slice %arg7[%dma_start3A_153, %dma_start3A_154] : memref<800x64xf32, #tpu.memory_space<vmem>> -> memref<100x64xf32, #tpu.memory_space<vmem>>
        %dma_start3A_156 = arith.constant 0 : i32
        %dma_start3A_157 = arith.constant 64 : i32
        %dma_start3A_158 = tpu.memref_slice %arg4[%dma_start3A_156, %add3A_118, %dma_start3A_157] : memref<100x4096x128xf32, #tpu.memory_space<hbm>> -> memref<100x1x64xf32, #tpu.memory_space<hbm>>
        %dma_start3A_159 = tpu.memref_squeeze %dma_start3A_158 : memref<100x1x64xf32, #tpu.memory_space<hbm>> -> memref<100x64xf32, #tpu.memory_space<hbm>>
        %dma_start3A_160 = arith.constant 0 : i32
        %dma_start3A_161 = arith.constant 64 : i32
        %dma_start3A_162 = tpu.memref_slice %arg4[%dma_start3A_160, %add3A_118, %dma_start3A_161] : memref<100x4096x128xf32, #tpu.memory_space<hbm>> -> memref<100x1x64xf32, #tpu.memory_space<hbm>>
        %dma_start3A_163 = tpu.memref_squeeze %dma_start3A_162 : memref<100x1x64xf32, #tpu.memory_space<hbm>> -> memref<100x64xf32, #tpu.memory_space<hbm>>
        %dma_start3A_164 = arith.constant 500 : i32
        %dma_start3A_165 = arith.constant 0 : i32
        %dma_start3A_166 = tpu.memref_slice %arg7[%dma_start3A_164, %dma_start3A_165] : memref<800x64xf32, #tpu.memory_space<vmem>> -> memref<100x64xf32, #tpu.memory_space<vmem>>
        tpu.enqueue_dma source(%dma_start3A_166 : memref<100x64xf32, #tpu.memory_space<vmem>>) target(%dma_start3A_163 : memref<100x64xf32, #tpu.memory_space<hbm>>) target_semaphore(%run_scoped3A : memref<!tpu.dma_semaphore, #tpu.memory_space<semaphore_mem>>)
        %dma_wait3A_167 = arith.constant 500 : i32
        %dma_wait3A_168 = arith.constant 0 : i32
        %dma_wait3A_169 = tpu.memref_slice %arg7[%dma_wait3A_167, %dma_wait3A_168] : memref<800x64xf32, #tpu.memory_space<vmem>> -> memref<100x64xf32, #tpu.memory_space<vmem>>
        %dma_wait3A_170 = arith.constant 0 : i32
        %dma_wait3A_171 = arith.constant 64 : i32
        %dma_wait3A_172 = tpu.memref_slice %arg4[%dma_wait3A_170, %add3A_118, %dma_wait3A_171] : memref<100x4096x128xf32, #tpu.memory_space<hbm>> -> memref<100x1x64xf32, #tpu.memory_space<hbm>>
        %dma_wait3A_173 = tpu.memref_squeeze %dma_wait3A_172 : memref<100x1x64xf32, #tpu.memory_space<hbm>> -> memref<100x64xf32, #tpu.memory_space<hbm>>
        %dma_wait3A_174 = arith.constant 0 : i32
        %dma_wait3A_175 = arith.constant 64 : i32
        %dma_wait3A_176 = tpu.memref_slice %arg4[%dma_wait3A_174, %add3A_118, %dma_wait3A_175] : memref<100x4096x128xf32, #tpu.memory_space<hbm>> -> memref<100x1x64xf32, #tpu.memory_space<hbm>>
        %dma_wait3A_177 = tpu.memref_squeeze %dma_wait3A_176 : memref<100x1x64xf32, #tpu.memory_space<hbm>> -> memref<100x64xf32, #tpu.memory_space<hbm>>
        %dma_wait3A_178 = arith.constant 500 : i32
        %dma_wait3A_179 = arith.constant 0 : i32
        %dma_wait3A_180 = tpu.memref_slice %arg7[%dma_wait3A_178, %dma_wait3A_179] : memref<800x64xf32, #tpu.memory_space<vmem>> -> memref<100x64xf32, #tpu.memory_space<vmem>>
        tpu.wait_dma2 semaphore(%run_scoped3A : memref<!tpu.dma_semaphore, #tpu.memory_space<semaphore_mem>>) src(%dma_wait3A_180 : memref<100x64xf32, #tpu.memory_space<vmem>>) dst(%dma_wait3A_177 : memref<100x64xf32, #tpu.memory_space<hbm>>)
        tpu.yield
      }) : () -> ()
      %add3A_119 = arith.constant 3 : i32
      %add3A_120 = arith.addi %multiple_of3A_106, %add3A_119 : i32
      "tpu.region"() ({
        %run_scoped3A = tpu.sem_alloc : memref<!tpu.dma_semaphore, #tpu.memory_space<semaphore_mem>>
        %dma_start3A_153 = arith.constant 600 : i32
        %dma_start3A_154 = arith.constant 0 : i32
        %dma_start3A_155 = tpu.memref_slice %arg7[%dma_start3A_153, %dma_start3A_154] : memref<800x64xf32, #tpu.memory_space<vmem>> -> memref<100x64xf32, #tpu.memory_space<vmem>>
        %dma_start3A_156 = arith.constant 0 : i32
        %dma_start3A_157 = arith.constant 0 : i32
        %dma_start3A_158 = tpu.memref_slice %arg4[%dma_start3A_156, %add3A_120, %dma_start3A_157] : memref<100x4096x128xf32, #tpu.memory_space<hbm>> -> memref<100x1x64xf32, #tpu.memory_space<hbm>>
        %dma_start3A_159 = tpu.memref_squeeze %dma_start3A_158 : memref<100x1x64xf32, #tpu.memory_space<hbm>> -> memref<100x64xf32, #tpu.memory_space<hbm>>
        %dma_start3A_160 = arith.constant 0 : i32
        %dma_start3A_161 = arith.constant 0 : i32
        %dma_start3A_162 = tpu.memref_slice %arg4[%dma_start3A_160, %add3A_120, %dma_start3A_161] : memref<100x4096x128xf32, #tpu.memory_space<hbm>> -> memref<100x1x64xf32, #tpu.memory_space<hbm>>
        %dma_start3A_163 = tpu.memref_squeeze %dma_start3A_162 : memref<100x1x64xf32, #tpu.memory_space<hbm>> -> memref<100x64xf32, #tpu.memory_space<hbm>>
        %dma_start3A_164 = arith.constant 600 : i32
        %dma_start3A_165 = arith.constant 0 : i32
        %dma_start3A_166 = tpu.memref_slice %arg7[%dma_start3A_164, %dma_start3A_165] : memref<800x64xf32, #tpu.memory_space<vmem>> -> memref<100x64xf32, #tpu.memory_space<vmem>>
        tpu.enqueue_dma source(%dma_start3A_166 : memref<100x64xf32, #tpu.memory_space<vmem>>) target(%dma_start3A_163 : memref<100x64xf32, #tpu.memory_space<hbm>>) target_semaphore(%run_scoped3A : memref<!tpu.dma_semaphore, #tpu.memory_space<semaphore_mem>>)
        %dma_wait3A_167 = arith.constant 600 : i32
        %dma_wait3A_168 = arith.constant 0 : i32
        %dma_wait3A_169 = tpu.memref_slice %arg7[%dma_wait3A_167, %dma_wait3A_168] : memref<800x64xf32, #tpu.memory_space<vmem>> -> memref<100x64xf32, #tpu.memory_space<vmem>>
        %dma_wait3A_170 = arith.constant 0 : i32
        %dma_wait3A_171 = arith.constant 0 : i32
        %dma_wait3A_172 = tpu.memref_slice %arg4[%dma_wait3A_170, %add3A_120, %dma_wait3A_171] : memref<100x4096x128xf32, #tpu.memory_space<hbm>> -> memref<100x1x64xf32, #tpu.memory_space<hbm>>
        %dma_wait3A_173 = tpu.memref_squeeze %dma_wait3A_172 : memref<100x1x64xf32, #tpu.memory_space<hbm>> -> memref<100x64xf32, #tpu.memory_space<hbm>>
        %dma_wait3A_174 = arith.constant 0 : i32
        %dma_wait3A_175 = arith.constant 0 : i32
        %dma_wait3A_176 = tpu.memref_slice %arg4[%dma_wait3A_174, %add3A_120, %dma_wait3A_175] : memref<100x4096x128xf32, #tpu.memory_space<hbm>> -> memref<100x1x64xf32, #tpu.memory_space<hbm>>
        %dma_wait3A_177 = tpu.memref_squeeze %dma_wait3A_176 : memref<100x1x64xf32, #tpu.memory_space<hbm>> -> memref<100x64xf32, #tpu.memory_space<hbm>>
        %dma_wait3A_178 = arith.constant 600 : i32
        %dma_wait3A_179 = arith.constant 0 : i32
        %dma_wait3A_180 = tpu.memref_slice %arg7[%dma_wait3A_178, %dma_wait3A_179] : memref<800x64xf32, #tpu.memory_space<vmem>> -> memref<100x64xf32, #tpu.memory_space<vmem>>
        tpu.wait_dma2 semaphore(%run_scoped3A : memref<!tpu.dma_semaphore, #tpu.memory_space<semaphore_mem>>) src(%dma_wait3A_180 : memref<100x64xf32, #tpu.memory_space<vmem>>) dst(%dma_wait3A_177 : memref<100x64xf32, #tpu.memory_space<hbm>>)
        tpu.yield
      }) : () -> ()
      %add3A_121 = arith.constant 3 : i32
      %add3A_122 = arith.addi %multiple_of3A_106, %add3A_121 : i32
      "tpu.region"() ({
        %run_scoped3A = tpu.sem_alloc : memref<!tpu.dma_semaphore, #tpu.memory_space<semaphore_mem>>
        %dma_start3A_153 = arith.constant 700 : i32
        %dma_start3A_154 = arith.constant 0 : i32
        %dma_start3A_155 = tpu.memref_slice %arg7[%dma_start3A_153, %dma_start3A_154] : memref<800x64xf32, #tpu.memory_space<vmem>> -> memref<100x64xf32, #tpu.memory_space<vmem>>
        %dma_start3A_156 = arith.constant 0 : i32
        %dma_start3A_157 = arith.constant 64 : i32
        %dma_start3A_158 = tpu.memref_slice %arg4[%dma_start3A_156, %add3A_122, %dma_start3A_157] : memref<100x4096x128xf32, #tpu.memory_space<hbm>> -> memref<100x1x64xf32, #tpu.memory_space<hbm>>
        %dma_start3A_159 = tpu.memref_squeeze %dma_start3A_158 : memref<100x1x64xf32, #tpu.memory_space<hbm>> -> memref<100x64xf32, #tpu.memory_space<hbm>>
        %dma_start3A_160 = arith.constant 0 : i32
        %dma_start3A_161 = arith.constant 64 : i32
        %dma_start3A_162 = tpu.memref_slice %arg4[%dma_start3A_160, %add3A_122, %dma_start3A_161] : memref<100x4096x128xf32, #tpu.memory_space<hbm>> -> memref<100x1x64xf32, #tpu.memory_space<hbm>>
        %dma_start3A_163 = tpu.memref_squeeze %dma_start3A_162 : memref<100x1x64xf32, #tpu.memory_space<hbm>> -> memref<100x64xf32, #tpu.memory_space<hbm>>
        %dma_start3A_164 = arith.constant 700 : i32
        %dma_start3A_165 = arith.constant 0 : i32
        %dma_start3A_166 = tpu.memref_slice %arg7[%dma_start3A_164, %dma_start3A_165] : memref<800x64xf32, #tpu.memory_space<vmem>> -> memref<100x64xf32, #tpu.memory_space<vmem>>
        tpu.enqueue_dma source(%dma_start3A_166 : memref<100x64xf32, #tpu.memory_space<vmem>>) target(%dma_start3A_163 : memref<100x64xf32, #tpu.memory_space<hbm>>) target_semaphore(%run_scoped3A : memref<!tpu.dma_semaphore, #tpu.memory_space<semaphore_mem>>)
        %dma_wait3A_167 = arith.constant 700 : i32
        %dma_wait3A_168 = arith.constant 0 : i32
        %dma_wait3A_169 = tpu.memref_slice %arg7[%dma_wait3A_167, %dma_wait3A_168] : memref<800x64xf32, #tpu.memory_space<vmem>> -> memref<100x64xf32, #tpu.memory_space<vmem>>
        %dma_wait3A_170 = arith.constant 0 : i32
        %dma_wait3A_171 = arith.constant 64 : i32
        %dma_wait3A_172 = tpu.memref_slice %arg4[%dma_wait3A_170, %add3A_122, %dma_wait3A_171] : memref<100x4096x128xf32, #tpu.memory_space<hbm>> -> memref<100x1x64xf32, #tpu.memory_space<hbm>>
        %dma_wait3A_173 = tpu.memref_squeeze %dma_wait3A_172 : memref<100x1x64xf32, #tpu.memory_space<hbm>> -> memref<100x64xf32, #tpu.memory_space<hbm>>
        %dma_wait3A_174 = arith.constant 0 : i32
        %dma_wait3A_175 = arith.constant 64 : i32
        %dma_wait3A_176 = tpu.memref_slice %arg4[%dma_wait3A_174, %add3A_122, %dma_wait3A_175] : memref<100x4096x128xf32, #tpu.memory_space<hbm>> -> memref<100x1x64xf32, #tpu.memory_space<hbm>>
        %dma_wait3A_177 = tpu.memref_squeeze %dma_wait3A_176 : memref<100x1x64xf32, #tpu.memory_space<hbm>> -> memref<100x64xf32, #tpu.memory_space<hbm>>
        %dma_wait3A_178 = arith.constant 700 : i32
        %dma_wait3A_179 = arith.constant 0 : i32
        %dma_wait3A_180 = tpu.memref_slice %arg7[%dma_wait3A_178, %dma_wait3A_179] : memref<800x64xf32, #tpu.memory_space<vmem>> -> memref<100x64xf32, #tpu.memory_space<vmem>>
        tpu.wait_dma2 semaphore(%run_scoped3A : memref<!tpu.dma_semaphore, #tpu.memory_space<semaphore_mem>>) src(%dma_wait3A_180 : memref<100x64xf32, #tpu.memory_space<vmem>>) dst(%dma_wait3A_177 : memref<100x64xf32, #tpu.memory_space<hbm>>)
        tpu.yield
      }) : () -> ()
      %lt3A = arith.constant 15 : i32
      %lt3A_123 = arith.cmpi slt, %scan3A_49, %lt3A : i32
      %convert_element_type3A = arith.extui %lt3A_123 : i1 to i32
      %cond3A = arith.constant 0 : i32
      %cond3A_124 = arith.cmpi ne, %convert_element_type3A, %cond3A : i32
      scf.if %cond3A_124 {
        %add3A_153 = arith.constant 2 : i32
        %add3A_154 = arith.addi %mul3A_51, %add3A_153 : i32
        %mul3A_155 = arith.constant 4 : i32
        %mul3A_156 = arith.muli %add3A_154, %mul3A_155 : i32
        %add3A_157 = arith.addi %mul3A_2, %mul3A_156 : i32
        %multiple_of3A_158 = tpu.assume_multiple %add3A_157, 4 : i32
        "tpu.region"() ({
          %run_scoped3A = tpu.sem_alloc : memref<!tpu.dma_semaphore, #tpu.memory_space<semaphore_mem>>
          %dma_start3A_199 = arith.constant 0 : i32
          %dma_start3A_200 = tpu.memref_slice %arg3[%multiple_of3A_158, %dma_start3A_199] : memref<4096x200xi32, #tpu.memory_space<hbm>> -> memref<4x200xi32, #tpu.memory_space<hbm>>
          %dma_start3A_201 = arith.constant 0 : i32
          %dma_start3A_202 = tpu.memref_slice %arg3[%multiple_of3A_158, %dma_start3A_201] : memref<4096x200xi32, #tpu.memory_space<hbm>> -> memref<4x200xi32, #tpu.memory_space<hbm>>
          tpu.enqueue_dma source(%dma_start3A_202 : memref<4x200xi32, #tpu.memory_space<hbm>>) target(%arg5 : memref<4x200xi32, #tpu.memory_space<vmem>>) target_semaphore(%run_scoped3A : memref<!tpu.dma_semaphore, #tpu.memory_space<semaphore_mem>>)
          %dma_wait3A_203 = arith.constant 0 : i32
          %dma_wait3A_204 = tpu.memref_slice %arg3[%multiple_of3A_158, %dma_wait3A_203] : memref<4096x200xi32, #tpu.memory_space<hbm>> -> memref<4x200xi32, #tpu.memory_space<hbm>>
          %dma_wait3A_205 = arith.constant 0 : i32
          %dma_wait3A_206 = tpu.memref_slice %arg3[%multiple_of3A_158, %dma_wait3A_205] : memref<4096x200xi32, #tpu.memory_space<hbm>> -> memref<4x200xi32, #tpu.memory_space<hbm>>
          tpu.wait_dma2 semaphore(%run_scoped3A : memref<!tpu.dma_semaphore, #tpu.memory_space<semaphore_mem>>) src(%dma_wait3A_206 : memref<4x200xi32, #tpu.memory_space<hbm>>) dst(%arg5 : memref<4x200xi32, #tpu.memory_space<vmem>>)
          tpu.yield
        }) : () -> ()
        %dma_start3A_159 = arith.constant 0 : i32
        %dma_start3A_160 = arith.constant 0 : i32
        %dma_start3A_161 = arith.constant 0 : i32
        %dma_start3A_162 = tpu.memref_slice %arg7[%dma_start3A_160, %dma_start3A_161] : memref<800x64xf32, #tpu.memory_space<vmem>> -> memref<200x64xf32, #tpu.memory_space<vmem>>
        %dma_start3A_163 = arith.constant 0 : i32
        %dma_start3A_164 = tpu.memref_slice %arg5[%dma_start3A_159, %dma_start3A_163] : memref<4x200xi32, #tpu.memory_space<vmem>> -> memref<1x200xi32, #tpu.memory_space<vmem>>
        %dma_start3A_165 = tpu.memref_squeeze %dma_start3A_164 : memref<1x200xi32, #tpu.memory_space<vmem>> -> memref<200xi32, #tpu.memory_space<vmem>>
        %dma_start3A_166 = arith.constant 0 : i32
        %dma_start3A_167 = arith.constant 0 : i32
        %dma_start3A_168 = tpu.memref_slice %arg2[%dma_start3A_166, %dma_start3A_167] : memref<100000x64xf32, #tpu.memory_space<hbm>> -> memref<100000x64xf32, #tpu.memory_space<hbm>>
        tpu.enqueue_indirect_dma source(%dma_start3A_168 : memref<100000x64xf32, #tpu.memory_space<hbm>>) target(%dma_start3A_162 : memref<200x64xf32, #tpu.memory_space<vmem>>) offsets(%dma_start3A_165 : memref<200xi32, #tpu.memory_space<vmem>>) semaphore(%arg9 : memref<!tpu.dma_semaphore, #tpu.memory_space<semaphore_mem>>)
        %dma_start3A_169 = arith.constant 1 : i32
        %dma_start3A_170 = arith.constant 200 : i32
        %dma_start3A_171 = arith.constant 0 : i32
        %dma_start3A_172 = tpu.memref_slice %arg7[%dma_start3A_170, %dma_start3A_171] : memref<800x64xf32, #tpu.memory_space<vmem>> -> memref<200x64xf32, #tpu.memory_space<vmem>>
        %dma_start3A_173 = arith.constant 0 : i32
        %dma_start3A_174 = tpu.memref_slice %arg5[%dma_start3A_169, %dma_start3A_173] : memref<4x200xi32, #tpu.memory_space<vmem>> -> memref<1x200xi32, #tpu.memory_space<vmem>>
        %dma_start3A_175 = tpu.memref_squeeze %dma_start3A_174 : memref<1x200xi32, #tpu.memory_space<vmem>> -> memref<200xi32, #tpu.memory_space<vmem>>
        %dma_start3A_176 = arith.constant 0 : i32
        %dma_start3A_177 = arith.constant 0 : i32
        %dma_start3A_178 = tpu.memref_slice %arg2[%dma_start3A_176, %dma_start3A_177] : memref<100000x64xf32, #tpu.memory_space<hbm>> -> memref<100000x64xf32, #tpu.memory_space<hbm>>
        tpu.enqueue_indirect_dma source(%dma_start3A_178 : memref<100000x64xf32, #tpu.memory_space<hbm>>) target(%dma_start3A_172 : memref<200x64xf32, #tpu.memory_space<vmem>>) offsets(%dma_start3A_175 : memref<200xi32, #tpu.memory_space<vmem>>) semaphore(%arg9 : memref<!tpu.dma_semaphore, #tpu.memory_space<semaphore_mem>>)
        %dma_start3A_179 = arith.constant 2 : i32
        %dma_start3A_180 = arith.constant 400 : i32
        %dma_start3A_181 = arith.constant 0 : i32
        %dma_start3A_182 = tpu.memref_slice %arg7[%dma_start3A_180, %dma_start3A_181] : memref<800x64xf32, #tpu.memory_space<vmem>> -> memref<200x64xf32, #tpu.memory_space<vmem>>
        %dma_start3A_183 = arith.constant 0 : i32
        %dma_start3A_184 = tpu.memref_slice %arg5[%dma_start3A_179, %dma_start3A_183] : memref<4x200xi32, #tpu.memory_space<vmem>> -> memref<1x200xi32, #tpu.memory_space<vmem>>
        %dma_start3A_185 = tpu.memref_squeeze %dma_start3A_184 : memref<1x200xi32, #tpu.memory_space<vmem>> -> memref<200xi32, #tpu.memory_space<vmem>>
        %dma_start3A_186 = arith.constant 0 : i32
        %dma_start3A_187 = arith.constant 0 : i32
        %dma_start3A_188 = tpu.memref_slice %arg2[%dma_start3A_186, %dma_start3A_187] : memref<100000x64xf32, #tpu.memory_space<hbm>> -> memref<100000x64xf32, #tpu.memory_space<hbm>>
        tpu.enqueue_indirect_dma source(%dma_start3A_188 : memref<100000x64xf32, #tpu.memory_space<hbm>>) target(%dma_start3A_182 : memref<200x64xf32, #tpu.memory_space<vmem>>) offsets(%dma_start3A_185 : memref<200xi32, #tpu.memory_space<vmem>>) semaphore(%arg9 : memref<!tpu.dma_semaphore, #tpu.memory_space<semaphore_mem>>)
        %dma_start3A_189 = arith.constant 3 : i32
        %dma_start3A_190 = arith.constant 600 : i32
        %dma_start3A_191 = arith.constant 0 : i32
        %dma_start3A_192 = tpu.memref_slice %arg7[%dma_start3A_190, %dma_start3A_191] : memref<800x64xf32, #tpu.memory_space<vmem>> -> memref<200x64xf32, #tpu.memory_space<vmem>>
        %dma_start3A_193 = arith.constant 0 : i32
        %dma_start3A_194 = tpu.memref_slice %arg5[%dma_start3A_189, %dma_start3A_193] : memref<4x200xi32, #tpu.memory_space<vmem>> -> memref<1x200xi32, #tpu.memory_space<vmem>>
        %dma_start3A_195 = tpu.memref_squeeze %dma_start3A_194 : memref<1x200xi32, #tpu.memory_space<vmem>> -> memref<200xi32, #tpu.memory_space<vmem>>
        %dma_start3A_196 = arith.constant 0 : i32
        %dma_start3A_197 = arith.constant 0 : i32
        %dma_start3A_198 = tpu.memref_slice %arg2[%dma_start3A_196, %dma_start3A_197] : memref<100000x64xf32, #tpu.memory_space<hbm>> -> memref<100000x64xf32, #tpu.memory_space<hbm>>
        tpu.enqueue_indirect_dma source(%dma_start3A_198 : memref<100000x64xf32, #tpu.memory_space<hbm>>) target(%dma_start3A_192 : memref<200x64xf32, #tpu.memory_space<vmem>>) offsets(%dma_start3A_195 : memref<200xi32, #tpu.memory_space<vmem>>) semaphore(%arg9 : memref<!tpu.dma_semaphore, #tpu.memory_space<semaphore_mem>>)
      } else {
      }
      %add3A_125 = arith.constant 1 : i32
      %add3A_126 = arith.addi %mul3A_51, %add3A_125 : i32
      %dma_wait3A_127 = arith.constant 0 : i32
      %dma_wait3A_128 = arith.constant 0 : i32
      %dma_wait3A_129 = tpu.memref_slice %arg2[%dma_wait3A_127, %dma_wait3A_128] : memref<100000x64xf32, #tpu.memory_space<hbm>> -> memref<800x64xf32, #tpu.memory_space<hbm>>
      %dma_wait3A_130 = arith.constant 0 : i32
      %dma_wait3A_131 = arith.constant 0 : i32
      %dma_wait3A_132 = tpu.memref_slice %arg2[%dma_wait3A_130, %dma_wait3A_131] : memref<100000x64xf32, #tpu.memory_space<hbm>> -> memref<800x64xf32, #tpu.memory_space<hbm>>
      tpu.wait_dma2 semaphore(%arg10 : memref<!tpu.dma_semaphore, #tpu.memory_space<semaphore_mem>>) src(%dma_wait3A_132 : memref<800x64xf32, #tpu.memory_space<hbm>>) dst(%arg8 : memref<800x64xf32, #tpu.memory_space<vmem>>)
      %mul3A_133 = arith.constant 4 : i32
      %mul3A_134 = arith.muli %add3A_126, %mul3A_133 : i32
      %add3A_135 = arith.addi %mul3A_2, %mul3A_134 : i32
      %multiple_of3A_136 = tpu.assume_multiple %add3A_135, 4 : i32
      %add3A_137 = arith.constant 0 : i32
      %add3A_138 = arith.addi %multiple_of3A_136, %add3A_137 : i32
      "tpu.region"() ({
        %run_scoped3A = tpu.sem_alloc : memref<!tpu.dma_semaphore, #tpu.memory_space<semaphore_mem>>
        %dma_start3A_153 = arith.constant 0 : i32
        %dma_start3A_154 = arith.constant 0 : i32
        %dma_start3A_155 = tpu.memref_slice %arg8[%dma_start3A_153, %dma_start3A_154] : memref<800x64xf32, #tpu.memory_space<vmem>> -> memref<100x64xf32, #tpu.memory_space<vmem>>
        %dma_start3A_156 = arith.constant 0 : i32
        %dma_start3A_157 = arith.constant 0 : i32
        %dma_start3A_158 = tpu.memref_slice %arg4[%dma_start3A_156, %add3A_138, %dma_start3A_157] : memref<100x4096x128xf32, #tpu.memory_space<hbm>> -> memref<100x1x64xf32, #tpu.memory_space<hbm>>
        %dma_start3A_159 = tpu.memref_squeeze %dma_start3A_158 : memref<100x1x64xf32, #tpu.memory_space<hbm>> -> memref<100x64xf32, #tpu.memory_space<hbm>>
        %dma_start3A_160 = arith.constant 0 : i32
        %dma_start3A_161 = arith.constant 0 : i32
        %dma_start3A_162 = tpu.memref_slice %arg4[%dma_start3A_160, %add3A_138, %dma_start3A_161] : memref<100x4096x128xf32, #tpu.memory_space<hbm>> -> memref<100x1x64xf32, #tpu.memory_space<hbm>>
        %dma_start3A_163 = tpu.memref_squeeze %dma_start3A_162 : memref<100x1x64xf32, #tpu.memory_space<hbm>> -> memref<100x64xf32, #tpu.memory_space<hbm>>
        %dma_start3A_164 = arith.constant 0 : i32
        %dma_start3A_165 = arith.constant 0 : i32
        %dma_start3A_166 = tpu.memref_slice %arg8[%dma_start3A_164, %dma_start3A_165] : memref<800x64xf32, #tpu.memory_space<vmem>> -> memref<100x64xf32, #tpu.memory_space<vmem>>
        tpu.enqueue_dma source(%dma_start3A_166 : memref<100x64xf32, #tpu.memory_space<vmem>>) target(%dma_start3A_163 : memref<100x64xf32, #tpu.memory_space<hbm>>) target_semaphore(%run_scoped3A : memref<!tpu.dma_semaphore, #tpu.memory_space<semaphore_mem>>)
        %dma_wait3A_167 = arith.constant 0 : i32
        %dma_wait3A_168 = arith.constant 0 : i32
        %dma_wait3A_169 = tpu.memref_slice %arg8[%dma_wait3A_167, %dma_wait3A_168] : memref<800x64xf32, #tpu.memory_space<vmem>> -> memref<100x64xf32, #tpu.memory_space<vmem>>
        %dma_wait3A_170 = arith.constant 0 : i32
        %dma_wait3A_171 = arith.constant 0 : i32
        %dma_wait3A_172 = tpu.memref_slice %arg4[%dma_wait3A_170, %add3A_138, %dma_wait3A_171] : memref<100x4096x128xf32, #tpu.memory_space<hbm>> -> memref<100x1x64xf32, #tpu.memory_space<hbm>>
        %dma_wait3A_173 = tpu.memref_squeeze %dma_wait3A_172 : memref<100x1x64xf32, #tpu.memory_space<hbm>> -> memref<100x64xf32, #tpu.memory_space<hbm>>
        %dma_wait3A_174 = arith.constant 0 : i32
        %dma_wait3A_175 = arith.constant 0 : i32
        %dma_wait3A_176 = tpu.memref_slice %arg4[%dma_wait3A_174, %add3A_138, %dma_wait3A_175] : memref<100x4096x128xf32, #tpu.memory_space<hbm>> -> memref<100x1x64xf32, #tpu.memory_space<hbm>>
        %dma_wait3A_177 = tpu.memref_squeeze %dma_wait3A_176 : memref<100x1x64xf32, #tpu.memory_space<hbm>> -> memref<100x64xf32, #tpu.memory_space<hbm>>
        %dma_wait3A_178 = arith.constant 0 : i32
        %dma_wait3A_179 = arith.constant 0 : i32
        %dma_wait3A_180 = tpu.memref_slice %arg8[%dma_wait3A_178, %dma_wait3A_179] : memref<800x64xf32, #tpu.memory_space<vmem>> -> memref<100x64xf32, #tpu.memory_space<vmem>>
        tpu.wait_dma2 semaphore(%run_scoped3A : memref<!tpu.dma_semaphore, #tpu.memory_space<semaphore_mem>>) src(%dma_wait3A_180 : memref<100x64xf32, #tpu.memory_space<vmem>>) dst(%dma_wait3A_177 : memref<100x64xf32, #tpu.memory_space<hbm>>)
        tpu.yield
      }) : () -> ()
      %add3A_139 = arith.constant 0 : i32
      %add3A_140 = arith.addi %multiple_of3A_136, %add3A_139 : i32
      "tpu.region"() ({
        %run_scoped3A = tpu.sem_alloc : memref<!tpu.dma_semaphore, #tpu.memory_space<semaphore_mem>>
        %dma_start3A_153 = arith.constant 100 : i32
        %dma_start3A_154 = arith.constant 0 : i32
        %dma_start3A_155 = tpu.memref_slice %arg8[%dma_start3A_153, %dma_start3A_154] : memref<800x64xf32, #tpu.memory_space<vmem>> -> memref<100x64xf32, #tpu.memory_space<vmem>>
        %dma_start3A_156 = arith.constant 0 : i32
        %dma_start3A_157 = arith.constant 64 : i32
        %dma_start3A_158 = tpu.memref_slice %arg4[%dma_start3A_156, %add3A_140, %dma_start3A_157] : memref<100x4096x128xf32, #tpu.memory_space<hbm>> -> memref<100x1x64xf32, #tpu.memory_space<hbm>>
        %dma_start3A_159 = tpu.memref_squeeze %dma_start3A_158 : memref<100x1x64xf32, #tpu.memory_space<hbm>> -> memref<100x64xf32, #tpu.memory_space<hbm>>
        %dma_start3A_160 = arith.constant 0 : i32
        %dma_start3A_161 = arith.constant 64 : i32
        %dma_start3A_162 = tpu.memref_slice %arg4[%dma_start3A_160, %add3A_140, %dma_start3A_161] : memref<100x4096x128xf32, #tpu.memory_space<hbm>> -> memref<100x1x64xf32, #tpu.memory_space<hbm>>
        %dma_start3A_163 = tpu.memref_squeeze %dma_start3A_162 : memref<100x1x64xf32, #tpu.memory_space<hbm>> -> memref<100x64xf32, #tpu.memory_space<hbm>>
        %dma_start3A_164 = arith.constant 100 : i32
        %dma_start3A_165 = arith.constant 0 : i32
        %dma_start3A_166 = tpu.memref_slice %arg8[%dma_start3A_164, %dma_start3A_165] : memref<800x64xf32, #tpu.memory_space<vmem>> -> memref<100x64xf32, #tpu.memory_space<vmem>>
        tpu.enqueue_dma source(%dma_start3A_166 : memref<100x64xf32, #tpu.memory_space<vmem>>) target(%dma_start3A_163 : memref<100x64xf32, #tpu.memory_space<hbm>>) target_semaphore(%run_scoped3A : memref<!tpu.dma_semaphore, #tpu.memory_space<semaphore_mem>>)
        %dma_wait3A_167 = arith.constant 100 : i32
        %dma_wait3A_168 = arith.constant 0 : i32
        %dma_wait3A_169 = tpu.memref_slice %arg8[%dma_wait3A_167, %dma_wait3A_168] : memref<800x64xf32, #tpu.memory_space<vmem>> -> memref<100x64xf32, #tpu.memory_space<vmem>>
        %dma_wait3A_170 = arith.constant 0 : i32
        %dma_wait3A_171 = arith.constant 64 : i32
        %dma_wait3A_172 = tpu.memref_slice %arg4[%dma_wait3A_170, %add3A_140, %dma_wait3A_171] : memref<100x4096x128xf32, #tpu.memory_space<hbm>> -> memref<100x1x64xf32, #tpu.memory_space<hbm>>
        %dma_wait3A_173 = tpu.memref_squeeze %dma_wait3A_172 : memref<100x1x64xf32, #tpu.memory_space<hbm>> -> memref<100x64xf32, #tpu.memory_space<hbm>>
        %dma_wait3A_174 = arith.constant 0 : i32
        %dma_wait3A_175 = arith.constant 64 : i32
        %dma_wait3A_176 = tpu.memref_slice %arg4[%dma_wait3A_174, %add3A_140, %dma_wait3A_175] : memref<100x4096x128xf32, #tpu.memory_space<hbm>> -> memref<100x1x64xf32, #tpu.memory_space<hbm>>
        %dma_wait3A_177 = tpu.memref_squeeze %dma_wait3A_176 : memref<100x1x64xf32, #tpu.memory_space<hbm>> -> memref<100x64xf32, #tpu.memory_space<hbm>>
        %dma_wait3A_178 = arith.constant 100 : i32
        %dma_wait3A_179 = arith.constant 0 : i32
        %dma_wait3A_180 = tpu.memref_slice %arg8[%dma_wait3A_178, %dma_wait3A_179] : memref<800x64xf32, #tpu.memory_space<vmem>> -> memref<100x64xf32, #tpu.memory_space<vmem>>
        tpu.wait_dma2 semaphore(%run_scoped3A : memref<!tpu.dma_semaphore, #tpu.memory_space<semaphore_mem>>) src(%dma_wait3A_180 : memref<100x64xf32, #tpu.memory_space<vmem>>) dst(%dma_wait3A_177 : memref<100x64xf32, #tpu.memory_space<hbm>>)
        tpu.yield
      }) : () -> ()
      %add3A_141 = arith.constant 1 : i32
      %add3A_142 = arith.addi %multiple_of3A_136, %add3A_141 : i32
      "tpu.region"() ({
        %run_scoped3A = tpu.sem_alloc : memref<!tpu.dma_semaphore, #tpu.memory_space<semaphore_mem>>
        %dma_start3A_153 = arith.constant 200 : i32
        %dma_start3A_154 = arith.constant 0 : i32
        %dma_start3A_155 = tpu.memref_slice %arg8[%dma_start3A_153, %dma_start3A_154] : memref<800x64xf32, #tpu.memory_space<vmem>> -> memref<100x64xf32, #tpu.memory_space<vmem>>
        %dma_start3A_156 = arith.constant 0 : i32
        %dma_start3A_157 = arith.constant 0 : i32
        %dma_start3A_158 = tpu.memref_slice %arg4[%dma_start3A_156, %add3A_142, %dma_start3A_157] : memref<100x4096x128xf32, #tpu.memory_space<hbm>> -> memref<100x1x64xf32, #tpu.memory_space<hbm>>
        %dma_start3A_159 = tpu.memref_squeeze %dma_start3A_158 : memref<100x1x64xf32, #tpu.memory_space<hbm>> -> memref<100x64xf32, #tpu.memory_space<hbm>>
        %dma_start3A_160 = arith.constant 0 : i32
        %dma_start3A_161 = arith.constant 0 : i32
        %dma_start3A_162 = tpu.memref_slice %arg4[%dma_start3A_160, %add3A_142, %dma_start3A_161] : memref<100x4096x128xf32, #tpu.memory_space<hbm>> -> memref<100x1x64xf32, #tpu.memory_space<hbm>>
        %dma_start3A_163 = tpu.memref_squeeze %dma_start3A_162 : memref<100x1x64xf32, #tpu.memory_space<hbm>> -> memref<100x64xf32, #tpu.memory_space<hbm>>
        %dma_start3A_164 = arith.constant 200 : i32
        %dma_start3A_165 = arith.constant 0 : i32
        %dma_start3A_166 = tpu.memref_slice %arg8[%dma_start3A_164, %dma_start3A_165] : memref<800x64xf32, #tpu.memory_space<vmem>> -> memref<100x64xf32, #tpu.memory_space<vmem>>
        tpu.enqueue_dma source(%dma_start3A_166 : memref<100x64xf32, #tpu.memory_space<vmem>>) target(%dma_start3A_163 : memref<100x64xf32, #tpu.memory_space<hbm>>) target_semaphore(%run_scoped3A : memref<!tpu.dma_semaphore, #tpu.memory_space<semaphore_mem>>)
        %dma_wait3A_167 = arith.constant 200 : i32
        %dma_wait3A_168 = arith.constant 0 : i32
        %dma_wait3A_169 = tpu.memref_slice %arg8[%dma_wait3A_167, %dma_wait3A_168] : memref<800x64xf32, #tpu.memory_space<vmem>> -> memref<100x64xf32, #tpu.memory_space<vmem>>
        %dma_wait3A_170 = arith.constant 0 : i32
        %dma_wait3A_171 = arith.constant 0 : i32
        %dma_wait3A_172 = tpu.memref_slice %arg4[%dma_wait3A_170, %add3A_142, %dma_wait3A_171] : memref<100x4096x128xf32, #tpu.memory_space<hbm>> -> memref<100x1x64xf32, #tpu.memory_space<hbm>>
        %dma_wait3A_173 = tpu.memref_squeeze %dma_wait3A_172 : memref<100x1x64xf32, #tpu.memory_space<hbm>> -> memref<100x64xf32, #tpu.memory_space<hbm>>
        %dma_wait3A_174 = arith.constant 0 : i32
        %dma_wait3A_175 = arith.constant 0 : i32
        %dma_wait3A_176 = tpu.memref_slice %arg4[%dma_wait3A_174, %add3A_142, %dma_wait3A_175] : memref<100x4096x128xf32, #tpu.memory_space<hbm>> -> memref<100x1x64xf32, #tpu.memory_space<hbm>>
        %dma_wait3A_177 = tpu.memref_squeeze %dma_wait3A_176 : memref<100x1x64xf32, #tpu.memory_space<hbm>> -> memref<100x64xf32, #tpu.memory_space<hbm>>
        %dma_wait3A_178 = arith.constant 200 : i32
        %dma_wait3A_179 = arith.constant 0 : i32
        %dma_wait3A_180 = tpu.memref_slice %arg8[%dma_wait3A_178, %dma_wait3A_179] : memref<800x64xf32, #tpu.memory_space<vmem>> -> memref<100x64xf32, #tpu.memory_space<vmem>>
        tpu.wait_dma2 semaphore(%run_scoped3A : memref<!tpu.dma_semaphore, #tpu.memory_space<semaphore_mem>>) src(%dma_wait3A_180 : memref<100x64xf32, #tpu.memory_space<vmem>>) dst(%dma_wait3A_177 : memref<100x64xf32, #tpu.memory_space<hbm>>)
        tpu.yield
      }) : () -> ()
      %add3A_143 = arith.constant 1 : i32
      %add3A_144 = arith.addi %multiple_of3A_136, %add3A_143 : i32
      "tpu.region"() ({
        %run_scoped3A = tpu.sem_alloc : memref<!tpu.dma_semaphore, #tpu.memory_space<semaphore_mem>>
        %dma_start3A_153 = arith.constant 300 : i32
        %dma_start3A_154 = arith.constant 0 : i32
        %dma_start3A_155 = tpu.memref_slice %arg8[%dma_start3A_153, %dma_start3A_154] : memref<800x64xf32, #tpu.memory_space<vmem>> -> memref<100x64xf32, #tpu.memory_space<vmem>>
        %dma_start3A_156 = arith.constant 0 : i32
        %dma_start3A_157 = arith.constant 64 : i32
        %dma_start3A_158 = tpu.memref_slice %arg4[%dma_start3A_156, %add3A_144, %dma_start3A_157] : memref<100x4096x128xf32, #tpu.memory_space<hbm>> -> memref<100x1x64xf32, #tpu.memory_space<hbm>>
        %dma_start3A_159 = tpu.memref_squeeze %dma_start3A_158 : memref<100x1x64xf32, #tpu.memory_space<hbm>> -> memref<100x64xf32, #tpu.memory_space<hbm>>
        %dma_start3A_160 = arith.constant 0 : i32
        %dma_start3A_161 = arith.constant 64 : i32
        %dma_start3A_162 = tpu.memref_slice %arg4[%dma_start3A_160, %add3A_144, %dma_start3A_161] : memref<100x4096x128xf32, #tpu.memory_space<hbm>> -> memref<100x1x64xf32, #tpu.memory_space<hbm>>
        %dma_start3A_163 = tpu.memref_squeeze %dma_start3A_162 : memref<100x1x64xf32, #tpu.memory_space<hbm>> -> memref<100x64xf32, #tpu.memory_space<hbm>>
        %dma_start3A_164 = arith.constant 300 : i32
        %dma_start3A_165 = arith.constant 0 : i32
        %dma_start3A_166 = tpu.memref_slice %arg8[%dma_start3A_164, %dma_start3A_165] : memref<800x64xf32, #tpu.memory_space<vmem>> -> memref<100x64xf32, #tpu.memory_space<vmem>>
        tpu.enqueue_dma source(%dma_start3A_166 : memref<100x64xf32, #tpu.memory_space<vmem>>) target(%dma_start3A_163 : memref<100x64xf32, #tpu.memory_space<hbm>>) target_semaphore(%run_scoped3A : memref<!tpu.dma_semaphore, #tpu.memory_space<semaphore_mem>>)
        %dma_wait3A_167 = arith.constant 300 : i32
        %dma_wait3A_168 = arith.constant 0 : i32
        %dma_wait3A_169 = tpu.memref_slice %arg8[%dma_wait3A_167, %dma_wait3A_168] : memref<800x64xf32, #tpu.memory_space<vmem>> -> memref<100x64xf32, #tpu.memory_space<vmem>>
        %dma_wait3A_170 = arith.constant 0 : i32
        %dma_wait3A_171 = arith.constant 64 : i32
        %dma_wait3A_172 = tpu.memref_slice %arg4[%dma_wait3A_170, %add3A_144, %dma_wait3A_171] : memref<100x4096x128xf32, #tpu.memory_space<hbm>> -> memref<100x1x64xf32, #tpu.memory_space<hbm>>
        %dma_wait3A_173 = tpu.memref_squeeze %dma_wait3A_172 : memref<100x1x64xf32, #tpu.memory_space<hbm>> -> memref<100x64xf32, #tpu.memory_space<hbm>>
        %dma_wait3A_174 = arith.constant 0 : i32
        %dma_wait3A_175 = arith.constant 64 : i32
        %dma_wait3A_176 = tpu.memref_slice %arg4[%dma_wait3A_174, %add3A_144, %dma_wait3A_175] : memref<100x4096x128xf32, #tpu.memory_space<hbm>> -> memref<100x1x64xf32, #tpu.memory_space<hbm>>
        %dma_wait3A_177 = tpu.memref_squeeze %dma_wait3A_176 : memref<100x1x64xf32, #tpu.memory_space<hbm>> -> memref<100x64xf32, #tpu.memory_space<hbm>>
        %dma_wait3A_178 = arith.constant 300 : i32
        %dma_wait3A_179 = arith.constant 0 : i32
        %dma_wait3A_180 = tpu.memref_slice %arg8[%dma_wait3A_178, %dma_wait3A_179] : memref<800x64xf32, #tpu.memory_space<vmem>> -> memref<100x64xf32, #tpu.memory_space<vmem>>
        tpu.wait_dma2 semaphore(%run_scoped3A : memref<!tpu.dma_semaphore, #tpu.memory_space<semaphore_mem>>) src(%dma_wait3A_180 : memref<100x64xf32, #tpu.memory_space<vmem>>) dst(%dma_wait3A_177 : memref<100x64xf32, #tpu.memory_space<hbm>>)
        tpu.yield
      }) : () -> ()
      %add3A_145 = arith.constant 2 : i32
      %add3A_146 = arith.addi %multiple_of3A_136, %add3A_145 : i32
      "tpu.region"() ({
        %run_scoped3A = tpu.sem_alloc : memref<!tpu.dma_semaphore, #tpu.memory_space<semaphore_mem>>
        %dma_start3A_153 = arith.constant 400 : i32
        %dma_start3A_154 = arith.constant 0 : i32
        %dma_start3A_155 = tpu.memref_slice %arg8[%dma_start3A_153, %dma_start3A_154] : memref<800x64xf32, #tpu.memory_space<vmem>> -> memref<100x64xf32, #tpu.memory_space<vmem>>
        %dma_start3A_156 = arith.constant 0 : i32
        %dma_start3A_157 = arith.constant 0 : i32
        %dma_start3A_158 = tpu.memref_slice %arg4[%dma_start3A_156, %add3A_146, %dma_start3A_157] : memref<100x4096x128xf32, #tpu.memory_space<hbm>> -> memref<100x1x64xf32, #tpu.memory_space<hbm>>
        %dma_start3A_159 = tpu.memref_squeeze %dma_start3A_158 : memref<100x1x64xf32, #tpu.memory_space<hbm>> -> memref<100x64xf32, #tpu.memory_space<hbm>>
        %dma_start3A_160 = arith.constant 0 : i32
        %dma_start3A_161 = arith.constant 0 : i32
        %dma_start3A_162 = tpu.memref_slice %arg4[%dma_start3A_160, %add3A_146, %dma_start3A_161] : memref<100x4096x128xf32, #tpu.memory_space<hbm>> -> memref<100x1x64xf32, #tpu.memory_space<hbm>>
        %dma_start3A_163 = tpu.memref_squeeze %dma_start3A_162 : memref<100x1x64xf32, #tpu.memory_space<hbm>> -> memref<100x64xf32, #tpu.memory_space<hbm>>
        %dma_start3A_164 = arith.constant 400 : i32
        %dma_start3A_165 = arith.constant 0 : i32
        %dma_start3A_166 = tpu.memref_slice %arg8[%dma_start3A_164, %dma_start3A_165] : memref<800x64xf32, #tpu.memory_space<vmem>> -> memref<100x64xf32, #tpu.memory_space<vmem>>
        tpu.enqueue_dma source(%dma_start3A_166 : memref<100x64xf32, #tpu.memory_space<vmem>>) target(%dma_start3A_163 : memref<100x64xf32, #tpu.memory_space<hbm>>) target_semaphore(%run_scoped3A : memref<!tpu.dma_semaphore, #tpu.memory_space<semaphore_mem>>)
        %dma_wait3A_167 = arith.constant 400 : i32
        %dma_wait3A_168 = arith.constant 0 : i32
        %dma_wait3A_169 = tpu.memref_slice %arg8[%dma_wait3A_167, %dma_wait3A_168] : memref<800x64xf32, #tpu.memory_space<vmem>> -> memref<100x64xf32, #tpu.memory_space<vmem>>
        %dma_wait3A_170 = arith.constant 0 : i32
        %dma_wait3A_171 = arith.constant 0 : i32
        %dma_wait3A_172 = tpu.memref_slice %arg4[%dma_wait3A_170, %add3A_146, %dma_wait3A_171] : memref<100x4096x128xf32, #tpu.memory_space<hbm>> -> memref<100x1x64xf32, #tpu.memory_space<hbm>>
        %dma_wait3A_173 = tpu.memref_squeeze %dma_wait3A_172 : memref<100x1x64xf32, #tpu.memory_space<hbm>> -> memref<100x64xf32, #tpu.memory_space<hbm>>
        %dma_wait3A_174 = arith.constant 0 : i32
        %dma_wait3A_175 = arith.constant 0 : i32
        %dma_wait3A_176 = tpu.memref_slice %arg4[%dma_wait3A_174, %add3A_146, %dma_wait3A_175] : memref<100x4096x128xf32, #tpu.memory_space<hbm>> -> memref<100x1x64xf32, #tpu.memory_space<hbm>>
        %dma_wait3A_177 = tpu.memref_squeeze %dma_wait3A_176 : memref<100x1x64xf32, #tpu.memory_space<hbm>> -> memref<100x64xf32, #tpu.memory_space<hbm>>
        %dma_wait3A_178 = arith.constant 400 : i32
        %dma_wait3A_179 = arith.constant 0 : i32
        %dma_wait3A_180 = tpu.memref_slice %arg8[%dma_wait3A_178, %dma_wait3A_179] : memref<800x64xf32, #tpu.memory_space<vmem>> -> memref<100x64xf32, #tpu.memory_space<vmem>>
        tpu.wait_dma2 semaphore(%run_scoped3A : memref<!tpu.dma_semaphore, #tpu.memory_space<semaphore_mem>>) src(%dma_wait3A_180 : memref<100x64xf32, #tpu.memory_space<vmem>>) dst(%dma_wait3A_177 : memref<100x64xf32, #tpu.memory_space<hbm>>)
        tpu.yield
      }) : () -> ()
      %add3A_147 = arith.constant 2 : i32
      %add3A_148 = arith.addi %multiple_of3A_136, %add3A_147 : i32
      "tpu.region"() ({
        %run_scoped3A = tpu.sem_alloc : memref<!tpu.dma_semaphore, #tpu.memory_space<semaphore_mem>>
        %dma_start3A_153 = arith.constant 500 : i32
        %dma_start3A_154 = arith.constant 0 : i32
        %dma_start3A_155 = tpu.memref_slice %arg8[%dma_start3A_153, %dma_start3A_154] : memref<800x64xf32, #tpu.memory_space<vmem>> -> memref<100x64xf32, #tpu.memory_space<vmem>>
        %dma_start3A_156 = arith.constant 0 : i32
        %dma_start3A_157 = arith.constant 64 : i32
        %dma_start3A_158 = tpu.memref_slice %arg4[%dma_start3A_156, %add3A_148, %dma_start3A_157] : memref<100x4096x128xf32, #tpu.memory_space<hbm>> -> memref<100x1x64xf32, #tpu.memory_space<hbm>>
        %dma_start3A_159 = tpu.memref_squeeze %dma_start3A_158 : memref<100x1x64xf32, #tpu.memory_space<hbm>> -> memref<100x64xf32, #tpu.memory_space<hbm>>
        %dma_start3A_160 = arith.constant 0 : i32
        %dma_start3A_161 = arith.constant 64 : i32
        %dma_start3A_162 = tpu.memref_slice %arg4[%dma_start3A_160, %add3A_148, %dma_start3A_161] : memref<100x4096x128xf32, #tpu.memory_space<hbm>> -> memref<100x1x64xf32, #tpu.memory_space<hbm>>
        %dma_start3A_163 = tpu.memref_squeeze %dma_start3A_162 : memref<100x1x64xf32, #tpu.memory_space<hbm>> -> memref<100x64xf32, #tpu.memory_space<hbm>>
        %dma_start3A_164 = arith.constant 500 : i32
        %dma_start3A_165 = arith.constant 0 : i32
        %dma_start3A_166 = tpu.memref_slice %arg8[%dma_start3A_164, %dma_start3A_165] : memref<800x64xf32, #tpu.memory_space<vmem>> -> memref<100x64xf32, #tpu.memory_space<vmem>>
        tpu.enqueue_dma source(%dma_start3A_166 : memref<100x64xf32, #tpu.memory_space<vmem>>) target(%dma_start3A_163 : memref<100x64xf32, #tpu.memory_space<hbm>>) target_semaphore(%run_scoped3A : memref<!tpu.dma_semaphore, #tpu.memory_space<semaphore_mem>>)
        %dma_wait3A_167 = arith.constant 500 : i32
        %dma_wait3A_168 = arith.constant 0 : i32
        %dma_wait3A_169 = tpu.memref_slice %arg8[%dma_wait3A_167, %dma_wait3A_168] : memref<800x64xf32, #tpu.memory_space<vmem>> -> memref<100x64xf32, #tpu.memory_space<vmem>>
        %dma_wait3A_170 = arith.constant 0 : i32
        %dma_wait3A_171 = arith.constant 64 : i32
        %dma_wait3A_172 = tpu.memref_slice %arg4[%dma_wait3A_170, %add3A_148, %dma_wait3A_171] : memref<100x4096x128xf32, #tpu.memory_space<hbm>> -> memref<100x1x64xf32, #tpu.memory_space<hbm>>
        %dma_wait3A_173 = tpu.memref_squeeze %dma_wait3A_172 : memref<100x1x64xf32, #tpu.memory_space<hbm>> -> memref<100x64xf32, #tpu.memory_space<hbm>>
        %dma_wait3A_174 = arith.constant 0 : i32
        %dma_wait3A_175 = arith.constant 64 : i32
        %dma_wait3A_176 = tpu.memref_slice %arg4[%dma_wait3A_174, %add3A_148, %dma_wait3A_175] : memref<100x4096x128xf32, #tpu.memory_space<hbm>> -> memref<100x1x64xf32, #tpu.memory_space<hbm>>
        %dma_wait3A_177 = tpu.memref_squeeze %dma_wait3A_176 : memref<100x1x64xf32, #tpu.memory_space<hbm>> -> memref<100x64xf32, #tpu.memory_space<hbm>>
        %dma_wait3A_178 = arith.constant 500 : i32
        %dma_wait3A_179 = arith.constant 0 : i32
        %dma_wait3A_180 = tpu.memref_slice %arg8[%dma_wait3A_178, %dma_wait3A_179] : memref<800x64xf32, #tpu.memory_space<vmem>> -> memref<100x64xf32, #tpu.memory_space<vmem>>
        tpu.wait_dma2 semaphore(%run_scoped3A : memref<!tpu.dma_semaphore, #tpu.memory_space<semaphore_mem>>) src(%dma_wait3A_180 : memref<100x64xf32, #tpu.memory_space<vmem>>) dst(%dma_wait3A_177 : memref<100x64xf32, #tpu.memory_space<hbm>>)
        tpu.yield
      }) : () -> ()
      %add3A_149 = arith.constant 3 : i32
      %add3A_150 = arith.addi %multiple_of3A_136, %add3A_149 : i32
      "tpu.region"() ({
        %run_scoped3A = tpu.sem_alloc : memref<!tpu.dma_semaphore, #tpu.memory_space<semaphore_mem>>
        %dma_start3A_153 = arith.constant 600 : i32
        %dma_start3A_154 = arith.constant 0 : i32
        %dma_start3A_155 = tpu.memref_slice %arg8[%dma_start3A_153, %dma_start3A_154] : memref<800x64xf32, #tpu.memory_space<vmem>> -> memref<100x64xf32, #tpu.memory_space<vmem>>
        %dma_start3A_156 = arith.constant 0 : i32
        %dma_start3A_157 = arith.constant 0 : i32
        %dma_start3A_158 = tpu.memref_slice %arg4[%dma_start3A_156, %add3A_150, %dma_start3A_157] : memref<100x4096x128xf32, #tpu.memory_space<hbm>> -> memref<100x1x64xf32, #tpu.memory_space<hbm>>
        %dma_start3A_159 = tpu.memref_squeeze %dma_start3A_158 : memref<100x1x64xf32, #tpu.memory_space<hbm>> -> memref<100x64xf32, #tpu.memory_space<hbm>>
        %dma_start3A_160 = arith.constant 0 : i32
        %dma_start3A_161 = arith.constant 0 : i32
        %dma_start3A_162 = tpu.memref_slice %arg4[%dma_start3A_160, %add3A_150, %dma_start3A_161] : memref<100x4096x128xf32, #tpu.memory_space<hbm>> -> memref<100x1x64xf32, #tpu.memory_space<hbm>>
        %dma_start3A_163 = tpu.memref_squeeze %dma_start3A_162 : memref<100x1x64xf32, #tpu.memory_space<hbm>> -> memref<100x64xf32, #tpu.memory_space<hbm>>
        %dma_start3A_164 = arith.constant 600 : i32
        %dma_start3A_165 = arith.constant 0 : i32
        %dma_start3A_166 = tpu.memref_slice %arg8[%dma_start3A_164, %dma_start3A_165] : memref<800x64xf32, #tpu.memory_space<vmem>> -> memref<100x64xf32, #tpu.memory_space<vmem>>
        tpu.enqueue_dma source(%dma_start3A_166 : memref<100x64xf32, #tpu.memory_space<vmem>>) target(%dma_start3A_163 : memref<100x64xf32, #tpu.memory_space<hbm>>) target_semaphore(%run_scoped3A : memref<!tpu.dma_semaphore, #tpu.memory_space<semaphore_mem>>)
        %dma_wait3A_167 = arith.constant 600 : i32
        %dma_wait3A_168 = arith.constant 0 : i32
        %dma_wait3A_169 = tpu.memref_slice %arg8[%dma_wait3A_167, %dma_wait3A_168] : memref<800x64xf32, #tpu.memory_space<vmem>> -> memref<100x64xf32, #tpu.memory_space<vmem>>
        %dma_wait3A_170 = arith.constant 0 : i32
        %dma_wait3A_171 = arith.constant 0 : i32
        %dma_wait3A_172 = tpu.memref_slice %arg4[%dma_wait3A_170, %add3A_150, %dma_wait3A_171] : memref<100x4096x128xf32, #tpu.memory_space<hbm>> -> memref<100x1x64xf32, #tpu.memory_space<hbm>>
        %dma_wait3A_173 = tpu.memref_squeeze %dma_wait3A_172 : memref<100x1x64xf32, #tpu.memory_space<hbm>> -> memref<100x64xf32, #tpu.memory_space<hbm>>
        %dma_wait3A_174 = arith.constant 0 : i32
        %dma_wait3A_175 = arith.constant 0 : i32
        %dma_wait3A_176 = tpu.memref_slice %arg4[%dma_wait3A_174, %add3A_150, %dma_wait3A_175] : memref<100x4096x128xf32, #tpu.memory_space<hbm>> -> memref<100x1x64xf32, #tpu.memory_space<hbm>>
        %dma_wait3A_177 = tpu.memref_squeeze %dma_wait3A_176 : memref<100x1x64xf32, #tpu.memory_space<hbm>> -> memref<100x64xf32, #tpu.memory_space<hbm>>
        %dma_wait3A_178 = arith.constant 600 : i32
        %dma_wait3A_179 = arith.constant 0 : i32
        %dma_wait3A_180 = tpu.memref_slice %arg8[%dma_wait3A_178, %dma_wait3A_179] : memref<800x64xf32, #tpu.memory_space<vmem>> -> memref<100x64xf32, #tpu.memory_space<vmem>>
        tpu.wait_dma2 semaphore(%run_scoped3A : memref<!tpu.dma_semaphore, #tpu.memory_space<semaphore_mem>>) src(%dma_wait3A_180 : memref<100x64xf32, #tpu.memory_space<vmem>>) dst(%dma_wait3A_177 : memref<100x64xf32, #tpu.memory_space<hbm>>)
        tpu.yield
      }) : () -> ()
      %add3A_151 = arith.constant 3 : i32
      %add3A_152 = arith.addi %multiple_of3A_136, %add3A_151 : i32
      "tpu.region"() ({
        %run_scoped3A = tpu.sem_alloc : memref<!tpu.dma_semaphore, #tpu.memory_space<semaphore_mem>>
        %dma_start3A_153 = arith.constant 700 : i32
        %dma_start3A_154 = arith.constant 0 : i32
        %dma_start3A_155 = tpu.memref_slice %arg8[%dma_start3A_153, %dma_start3A_154] : memref<800x64xf32, #tpu.memory_space<vmem>> -> memref<100x64xf32, #tpu.memory_space<vmem>>
        %dma_start3A_156 = arith.constant 0 : i32
        %dma_start3A_157 = arith.constant 64 : i32
        %dma_start3A_158 = tpu.memref_slice %arg4[%dma_start3A_156, %add3A_152, %dma_start3A_157] : memref<100x4096x128xf32, #tpu.memory_space<hbm>> -> memref<100x1x64xf32, #tpu.memory_space<hbm>>
        %dma_start3A_159 = tpu.memref_squeeze %dma_start3A_158 : memref<100x1x64xf32, #tpu.memory_space<hbm>> -> memref<100x64xf32, #tpu.memory_space<hbm>>
        %dma_start3A_160 = arith.constant 0 : i32
        %dma_start3A_161 = arith.constant 64 : i32
        %dma_start3A_162 = tpu.memref_slice %arg4[%dma_start3A_160, %add3A_152, %dma_start3A_161] : memref<100x4096x128xf32, #tpu.memory_space<hbm>> -> memref<100x1x64xf32, #tpu.memory_space<hbm>>
        %dma_start3A_163 = tpu.memref_squeeze %dma_start3A_162 : memref<100x1x64xf32, #tpu.memory_space<hbm>> -> memref<100x64xf32, #tpu.memory_space<hbm>>
        %dma_start3A_164 = arith.constant 700 : i32
        %dma_start3A_165 = arith.constant 0 : i32
        %dma_start3A_166 = tpu.memref_slice %arg8[%dma_start3A_164, %dma_start3A_165] : memref<800x64xf32, #tpu.memory_space<vmem>> -> memref<100x64xf32, #tpu.memory_space<vmem>>
        tpu.enqueue_dma source(%dma_start3A_166 : memref<100x64xf32, #tpu.memory_space<vmem>>) target(%dma_start3A_163 : memref<100x64xf32, #tpu.memory_space<hbm>>) target_semaphore(%run_scoped3A : memref<!tpu.dma_semaphore, #tpu.memory_space<semaphore_mem>>)
        %dma_wait3A_167 = arith.constant 700 : i32
        %dma_wait3A_168 = arith.constant 0 : i32
        %dma_wait3A_169 = tpu.memref_slice %arg8[%dma_wait3A_167, %dma_wait3A_168] : memref<800x64xf32, #tpu.memory_space<vmem>> -> memref<100x64xf32, #tpu.memory_space<vmem>>
        %dma_wait3A_170 = arith.constant 0 : i32
        %dma_wait3A_171 = arith.constant 64 : i32
        %dma_wait3A_172 = tpu.memref_slice %arg4[%dma_wait3A_170, %add3A_152, %dma_wait3A_171] : memref<100x4096x128xf32, #tpu.memory_space<hbm>> -> memref<100x1x64xf32, #tpu.memory_space<hbm>>
        %dma_wait3A_173 = tpu.memref_squeeze %dma_wait3A_172 : memref<100x1x64xf32, #tpu.memory_space<hbm>> -> memref<100x64xf32, #tpu.memory_space<hbm>>
        %dma_wait3A_174 = arith.constant 0 : i32
        %dma_wait3A_175 = arith.constant 64 : i32
        %dma_wait3A_176 = tpu.memref_slice %arg4[%dma_wait3A_174, %add3A_152, %dma_wait3A_175] : memref<100x4096x128xf32, #tpu.memory_space<hbm>> -> memref<100x1x64xf32, #tpu.memory_space<hbm>>
        %dma_wait3A_177 = tpu.memref_squeeze %dma_wait3A_176 : memref<100x1x64xf32, #tpu.memory_space<hbm>> -> memref<100x64xf32, #tpu.memory_space<hbm>>
        %dma_wait3A_178 = arith.constant 700 : i32
        %dma_wait3A_179 = arith.constant 0 : i32
        %dma_wait3A_180 = tpu.memref_slice %arg8[%dma_wait3A_178, %dma_wait3A_179] : memref<800x64xf32, #tpu.memory_space<vmem>> -> memref<100x64xf32, #tpu.memory_space<vmem>>
        tpu.wait_dma2 semaphore(%run_scoped3A : memref<!tpu.dma_semaphore, #tpu.memory_space<semaphore_mem>>) src(%dma_wait3A_180 : memref<100x64xf32, #tpu.memory_space<vmem>>) dst(%dma_wait3A_177 : memref<100x64xf32, #tpu.memory_space<hbm>>)
        tpu.yield
      }) : () -> ()
    }
    %scan3A_48 = arith.constant 16 : i32
    return
  }
}

module attributes {stable_mosaic.version = 14 : i64} {
  func.func @_transpose_kernel(%arg0: i32, %arg1: memref<1x4096x128xf32, #tpu.memory_space<vmem>>, %arg2: memref<1x128x4096xf32, #tpu.memory_space<vmem>>) attributes {dimension_semantics = [#tpu.dimension_semantics<arbitrary>], iteration_bounds = array<i64: 100>, scalar_prefetch = 0 : i64, scratch_operands = 0 : i64, tpu.core_type = #tpu.core_type<tc>, window_params = [{transform_indices = @transform_0, window_bounds = array<i64: 1, 4096, 128>}, {transform_indices = @transform_1, window_bounds = array<i64: 1, 128, 4096>}]} {
    %get3A = arith.constant 0 : index
    %get3A_0 = arith.constant 0 : index
    %get3A_1 = arith.constant 0 : index
    %get3A_2 = vector.load %arg1[%get3A, %get3A_0, %get3A_1] : memref<1x4096x128xf32, #tpu.memory_space<vmem>>, vector<1x4096x128xf32>
    %transpose3A = tpu.transpose %get3A_2, [0, 2, 1] : vector<1x4096x128xf32> -> vector<1x128x4096xf32>
    %swap3A = arith.constant 0 : index
    %swap3A_3 = arith.constant 0 : index
    %swap3A_4 = arith.constant 0 : index
    %swap3A_5 = vector.load %arg2[%swap3A, %swap3A_3, %swap3A_4] : memref<1x128x4096xf32, #tpu.memory_space<vmem>>, vector<1x128x4096xf32>
    tpu.vector_store %arg2[%swap3A, %swap3A_3, %swap3A_4], %transpose3A {strides = array<i32>} : memref<1x128x4096xf32, #tpu.memory_space<vmem>>, vector<1x128x4096xf32>,
    return
  }
  func.func @transform_0(%arg0: i32) -> (i32, i32, i32) {
    %c0_i32 = arith.constant 0 : i32
    %c0_i32_0 = arith.constant 0 : i32
    %c0_i32_1 = arith.constant 0 : i32
    return %arg0, %c0_i32, %c0_i32_0 : i32, i32, i32
  }
  func.func @transform_1(%arg0: i32) -> (i32, i32, i32) {
    %c0_i32 = arith.constant 0 : i32
    %c0_i32_0 = arith.constant 0 : i32
    %c0_i32_1 = arith.constant 0 : i32
    return %arg0, %c0_i32, %c0_i32_0 : i32, i32, i32
  }
}

</mosaic_0001>

<sc_bundles>
// kernel: kernel.4.cloned.1.call-start
scs
__scs_entry_jumppad:
0x0: {  	(pc) =	sbr.rel $0x88, $3  }
0x1: {  	(tag) =	ssettag $0x0;
	lr =	simm.s32 $0x1  }
0x2: {  	[smem:$0x3F9F] =	sst lr;
	_ =	strace $0xD0000000  }
0x3: {  	_ = 	snop  }
0x4: {  	_ = 	snop  }
0x5: {  	_ = 	snop  }
0x6: {  	_ = 	snop  }
0x7: {  	_ = 	snop  }
__scs_overlays_trampoline_lowered:
0x8: {  	[smem:$0x3FAE] =	sst s0  }
0x9: {  	[smem:$0x3FAF] =	sst s1  }
0xa: {  	[smem:$0x3FB0] =	sst s2  }
0xb: {  	[smem:$0x3FB1] =	sst s3  }
0xc: {  	[smem:$0x3FB2] =	sst s4  }
0xd: {  	[smem:$0x3FB3] =	sst s5  }
0xe: {  	[smem:$0x3FB4] =	sst s6  }
0xf: {  	[smem:$0x3FB5] =	sst s7  }
0x10: {  	[smem:$0x3FB6] =	sst s8  }
0x11: {  	[smem:$0x3FB7] =	sst s9;
	s0 =	simm.s32 @!p0 $0x0  }
0x12: {  	s1 =	sld [smem:$0x3F9D];
	s0 =	simm.s32 @p0 $0x1  }
0x13: {  	[smem:$0x3FB8] =	sst s0;
	s0 =	simm.s32 @!p1 $0x0  }
0x14: {  	s2 =	sld [smem:$0x3F9C];
	s0 =	simm.s32 @p1 $0x1  }
0x15: {  	[smem:$0x3FB9] =	sst s0;
	s0 =	simm.s32 @!p2 $0x0  }
0x16: {  	s3 =	sld [smem:$0x3FDB];
	s0 =	simm.s32 @p2 $0x1  }
0x17: {  	s4 =	simm.s32 $0x1BF5;
	[smem:$0x3FBB] =	sst s0  }
0x18: {  	s0 =	sld [smem:$0x3F9E];
	_ =	swait.ge [sflag:s4], $0x0  }
0x19: {  	s7 =	sld [smem:$0x3F9F]  }
0x1a: {  	s8 =	sadd.s32 $0xFFFFE003, lr  }
0x1b: {  	s9 =	sadd.s32 $0xFFFFFEF7, lr;
	s5 =	simm.s32 $0xFFFFFFFF;
	p2 =	slt.u32 s8, $0xFFFFF086  }
0x1c: {  	p1 =	slt.u32 s9, $0xF7A;
	s5 =	simm.s32 @!p2 $0x0  }
0x1d: {  	s5 =	simm.s32 @p1 $0x1;
	p0 =	seq.s32 s7, s2  }
0x1e: {  	s7 =	smul.u32 @!p0 $0xF7A, s2;
	p2 =	seq.s32 @!p0 s5, $0x0  }
0x1f: {  	s9 =	smul.u32 $0xF7A, s1;
	s8 =	simm.s32 @!p0 $0x1BF5;
	p2 =	por !p2, p0  }
0x20: {  	[sflag:s8] =	ssyncset.s32 @!p0 $0xFFFFF086;
	s6 =	sadd.s32 @!p0 s3, s7;
	s7 =	simm.s32 @!p0 $0x108  }
0x21: {  	s3 =	sadd.s32 s3, s9;
	s6 =	sadd.s32 @!p0 $0x88, s6;
	s7 =	simm.s32 @p2 $0x1082  }
0x22: {  	[simem:s7], [sflag:s8] =	dma.local @!p0 [hbm:s6], $0xF7A  }
0x23: {  	s9 =	sor.u32 $0xD0000000, s2;
	s6 =	simm.s32 $0x108;
	_ =	swait.ge @!p0 [sflag:s8], $0x0  }
0x24: {  	s3 =	sadd.s32 $0x88, s3;
	s6 =	simm.s32 @!p1 $0x1082;
	[sflag:s4] =	ssyncset.s32 $0xFFFFF086  }
0x25: {  	[simem:s6], [sflag:s4] =	dma.local [hbm:s3], $0xF7A  }
0x26: {  	[smem:$0x3F9F] =	sst s1;
	(tag) =	ssettag s2;
	_ =	strace s9  }
0x27: {  	s1 =	sld [smem:$0x3FAF]  }
0x28: {  	s2 =	sld [smem:$0x3FB0]  }
0x29: {  	s4 =	sld [smem:$0x3FB2]  }
0x2a: {  	p0 =	seq.s32 s5, $0x0;
	s5 =	sld [smem:$0x3FB3]  }
0x2b: {  	s6 =	sld [smem:$0x3FB4]  }
0x2c: {  	s7 =	sld [smem:$0x3FB5]  }
0x2d: {  	s3 =	simm.s32 $0x108;
	s8 =	sld [smem:$0x3FB6]  }
0x2e: {  	s3 =	simm.s32 @!p0 $0x1082;
	s9 =	sld [smem:$0x3FB7]  }
0x2f: {  	lr =	sadd.s32 s0, s3;
	s0 =	sld [smem:$0x3FAE]  }
0x30: {  	s3 =	sld [smem:$0x3FB1]  }
0x31: {  	[smem:$0x3FBA] =	sst s10  }
0x32: {  	s10 =	sld [smem:$0x3FB8];
	_ =	sdelay $0x3  }
0x33: {  	p0 =	seq.s32 s10, $0x1;
	s10 =	sld [smem:$0x3FBA];
	_ =	sdelay $0x3  }
0x34: {  	[smem:$0x3FBA] =	sst s10  }
0x35: {  	s10 =	sld [smem:$0x3FB9];
	_ =	sdelay $0x3  }
0x36: {  	p1 =	seq.s32 s10, $0x1;
	s10 =	sld [smem:$0x3FBA];
	_ =	sdelay $0x3  }
0x37: {  	[smem:$0x3FBA] =	sst s10  }
0x38: {  	s10 =	sld [smem:$0x3FBB]  }
0x39: {  	_ = 	snop;
	(pc) =	sbr.ind lr, $3  }
0x3a: {  	_ = 	snop  }
0x3b: {  	_ = 	snop  }
0x3c: {  	p2 =	seq.s32 s10, $0x1;
	s10 =	sld [smem:$0x3FBA]  }
0x3d: {  	_ =	shalt  }
0x3e: {  	_ =	shalt  }
0x3f: {  	_ =	shalt  }
0x40: {  	_ =	shalt  }
0x41: {  	_ =	shalt  }
0x42: {  	_ =	shalt  }
0x43: {  	_ =	shalt  }
0x44: {  	_ =	shalt  }
0x45: {  	_ =	shalt  }
0x46: {  	_ =	shalt  }
0x47: {  	_ =	shalt  }
0x48: {  	_ =	shalt  }
0x49: {  	_ =	shalt  }
0x4a: {  	_ =	shalt  }
0x4b: {  	_ =	shalt  }
0x4c: {  	_ =	shalt  }
0x4d: {  	_ =	shalt  }
0x4e: {  	_ =	shalt  }
0x4f: {  	_ =	shalt  }
0x50: {  	_ =	shalt  }
0x51: {  	_ =	shalt  }
0x52: {  	_ =	shalt  }
0x53: {  	_ =	shalt  }
0x54: {  	_ =	shalt  }
0x55: {  	_ =	shalt  }
0x56: {  	_ =	shalt  }
0x57: {  	_ =	shalt  }
0x58: {  	_ =	shalt  }
0x59: {  	_ =	shalt  }
0x5a: {  	_ =	shalt  }
0x5b: {  	_ =	shalt  }
0x5c: {  	_ =	shalt  }
0x5d: {  	_ =	shalt  }
0x5e: {  	_ =	shalt  }
0x5f: {  	_ =	shalt  }
0x60: {  	_ =	shalt  }
0x61: {  	_ =	shalt  }
0x62: {  	_ =	shalt  }
0x63: {  	_ =	shalt  }
0x64: {  	_ =	shalt  }
0x65: {  	_ =	shalt  }
0x66: {  	_ =	shalt  }
0x67: {  	_ =	shalt  }
0x68: {  	_ =	shalt  }
0x69: {  	_ =	shalt  }
0x6a: {  	_ =	shalt  }
0x6b: {  	_ =	shalt  }
0x6c: {  	_ =	shalt  }
0x6d: {  	_ =	shalt  }
0x6e: {  	_ =	shalt  }
0x6f: {  	_ =	shalt  }
0x70: {  	_ =	shalt  }
0x71: {  	_ =	shalt  }
0x72: {  	_ =	shalt  }
0x73: {  	_ =	shalt  }
0x74: {  	_ =	shalt  }
0x75: {  	_ =	shalt  }
0x76: {  	_ =	shalt  }
0x77: {  	_ =	shalt  }
0x78: {  	_ =	shalt  }
0x79: {  	_ =	shalt  }
0x7a: {  	_ =	shalt  }
0x7b: {  	_ =	shalt  }
0x7c: {  	_ =	shalt  }
0x7d: {  	_ =	shalt  }
0x7e: {  	_ =	shalt  }
0x7f: {  	_ =	shalt  }
0x80: {  	_ =	shalt  }
0x81: {  	_ =	shalt  }
0x82: {  	_ =	shalt  }
0x83: {  	_ =	shalt  }
0x84: {  	_ =	shalt  }
0x85: {  	_ =	shalt  }
0x86: {  	_ =	shalt  }
0x87: {  	_ =	shalt  }
.Lfunc_end0:
.L_simem_size_0:
called_computation_lowered:
.L_overlay_start_0:
0x88: {  	s2 =	sld [smem:$0x3FD9]  }
0x89: {  	s3 =	sld [smem:$0x3FFE];
	_ =	sdelay $0x1  }
0x8a: {  	s1 =	srdreg.scid  }
0x8b: {  	s0 =	sand.u32 $0x1, s1  }
0x8c: {  	s16 =	sshll.u32 s0, $0xA;
	s2 =	sadd.s32 s3, s2  }
0x8d: {  	s2 =	sadd.s32 s2, s16  }
0x8e: {  	[smem:$0x3FC6] =	sst s2  }
0x8f: {  	_ = 	snop  }
0x90: {  	(tm) =	ssettm $0x1  }
0x91: {  	s17 =	sld [smem:$0x3FFB];
	_ =	sdelay $0x3  }
0x92: {  	_ =	strace s17  }
0x93: {  	s2 =	sld [smem:$0x3FFC];
	_ =	sdelay $0x3  }
0x94: {  	_ =	strace s2  }
0x95: {  	s2 =	sld [smem:$0x3FFD];
	_ =	sdelay $0x3  }
0x96: {  	_ =	strace s2  }
0x97: {  	_ =	strace $0x8FFFFFFF  }
0x98: {  	s18 =	sld [smem:$0x3FDB];
	_ =	sdelay $0x1  }
0x99: {  	s19 =	simm.s32 $_scs_section_size  }
0x9a: {  	s4 =	simm.s32 $_size__tile_overlayer_lowered;
	s5 =	simm.s32 $_tile_overlayer_lowered  }
0x9b: {  	s22 =	simm.s32 $0x1BFF;
	s21 =	sshll.u32 s5, $0x1;
	s2 =	sadd.s32 s19, s18  }
0x9c: {  	s6 =	simm.s32 $0x0;
	s20 =	sshll.u32 s4, $0x1;
	s4 =	sadd.s32 s21, s2  }
0x9d: {  	[timem:s6], [sflag:s22] =	dma.local [hbm:s4], s20  }
0x9e: {  	_ =	swait.ge [sflag:s22], s20  }
0x9f: {  	s3 =	ssub.s32 $0x0, s20;
	[sflag:s22] =	ssyncset.done $0x0  }
0xa0: {  	[sflag:s22] =	ssyncadd.s32 s3;
	_ =	sdelay $0x1  }
0xa1: {  	s23 =	simm.s32 $0x1B8B  }
0xa2: {  	_ =	swait.ge [sflag:s23], $0x1  }
0xa3: {  	[sflag:s23] =	ssyncset.done $0x0  }
0xa4: {  	s25 =	simm.s32 $0x1B8E;
	s24 =	sld [smem:$0x3FFE];
	[sflag:s23] =	ssyncadd.s32 $0xFFFFFFFF  }
0xa5: {  	s26 =	simm.s32 $execute0_lowered;
	[smem:$0x3FD2] =	sst s25  }
0xa6: {  	s4 =	sshll.u32 s26, $0x1;
	_ =	strace $0x80000046;
	[dreg:$0x1] =	wrdreg $0xFFFFFFFF  }
0xa7: {  	s28 =	simm.s32 $_size_execute0_lowered;
	s2 =	sadd.s32 s2, s4;
	[dreg:$0x0] =	wrdreg $0x0  }
0xa8: {  	s4 =	sshll.u32 s28, $0x1;
	[dreg:$0x2] =	wrdreg s2  }
0xa9: {  	[dreg:$0x3] =	wrdreg s4  }
0xaa: {  	[dreg:$0x4] =	wrdreg $0xC0  }
0xab: {  	_ =	task [dreg:s6], $0x5FFFF  }
0xac: {  	[dreg:$0x1] =	wrdreg $0xFFFFFFFF  }
0xad: {  	[dreg:$0x0] =	wrdreg $0x60  }
0xae: {  	[dreg:$0x2] =	wrdreg s24  }
0xaf: {  	[dreg:$0x3] =	wrdreg $0x9  }
0xb0: {  	_ =	task.clear_ibuf [dreg:s6], $0x4FFFF;
	_ =	strace $0x90000046  }
0xb1: {  	s29 =	simm.s32 $0x9;
	_ =	strace $0x80000048  }
0xb2: {  	_ =	swait.ge [sflag:s29], $0x1  }
0xb3: {  	[sflag:s29] =	ssyncadd.s32 $0xFFFFFFFF  }
0xb4: {  	_ =	strace $0x90000048  }
0xb5: {  	_ =	sfence  }
0xb6: {  	s30 =	sld [smem:$0x0];
	_ =	sdelay $0x2  }
0xb7: {  	s31 =	sshll.u32 s1, $0xD;
	s1 =	sshrl.u32 s1, $0x2  }
0xb8: {  	s3 =	sand.u32 $0x4000, s31;
	s1 =	sadd.s32 s1, s30  }
0xb9: {  	s0 =	sor.u32 s3, s0;
	s1 =	sshll.u32 s1, $0x11  }
0xba: {  	s0 =	sor.u32 s1, s0  }
0xbb: {  	s0 =	sadd.s32 $0x8F2B, s0  }
0xbc: {  	[sflag:s0] =	ssyncadd.remote.s32 $0x1  }
0xbd: {  	_ =	sfence.sel $0xFFFF  }
0xbe: {  	[dreg:$0x0] =	wrdreg $0xFFFFFFFF;
	(pc) =	sbr.abs _section_cstart, $3  }
0xbf: {  	[dreg:$0x1] =	wrdreg $0xFFFFFFFF  }
0xc0: {  	_ =	task.clear_ibuf [dreg:s6], $0x2FFFF;
	_ =	strace $0x9FFFFFFF  }
0xc1: {  	(tm) =	ssettm $0x7FFFFFFF  }
tec
execute0_lowered:
.L_overlay_start_1:
0x0: {  	(tag) =	ssettag $0x1  }
0x1: {  	s4 =	rddreg [dreg:$0x0];
	s2 =	simm.s32 $0x0;
	s3 =	srdreg.scid  }
0x2: {  	s0 =	stileid.u32;
	s14 =	simm.s32 $0x3E8;
	s13 =	simm.s32 $0x258  }
0x3: {  	s15 =	simm.s32 $0x4B0;
	s16 =	simm.s32 $0x578;
	s17 =	simm.s32 $0x1F40  }
0x4: {  	s18 =	simm.s32 $0x5140;
	s19 =	simm.s32 $0x8340;
	s20 =	simm.s32 $0xB540  }
0x5: {  	s21 =	simm.s32 $0xE740;
	s22 =	simm.s32 $0x11940;
	s23 =	simm.s32 $0x14B40  }
0x6: {  	s24 =	simm.s32 $0x17D40;
	[smem:$0x7FF] =	sst s2;
	s5 =	sand.u32 $0x1, s3  }
0x7: {  	s6 =	sshll.u32 s0, $0x8;
	_ =	strace $0x80000047;
	[dreg:$0x3] =	wrdreg s14  }
0x8: {  	s3 =	sadd.s32 $0x19600, s4;
	s8 =	sadd.s32 $0x600, s4;
	[dreg:$0x4] =	wrdreg s15  }
0x9: {  	s28 =	sshll.u32 s0, $0xC;
	s10 =	smul.u32 $0x1900, s0;
	[dreg:$0x5] =	wrdreg s16  }
0xa: {  	s7 =	sshll.u32 s5, $0x7;
	s9 =	ssub.s32 $0x2, s5;
	[dreg:$0x6] =	wrdreg s17  }
0xb: {  	s11 =	sshll.u32 s5, $0xB;
	s12 =	smul.u32 $0xC80, s5;
	[dreg:$0x7] =	wrdreg s18  }
0xc: {  	s14 =	simm.s32 $0x9C40;
	s15 =	simm.s32 $0x320;
	[dreg:$0x8] =	wrdreg s19  }
0xd: {  	s16 =	simm.s32 $0xCE40;
	s17 =	simm.s32 $0x10040;
	[dreg:$0x9] =	wrdreg s20  }
0xe: {  	s18 =	simm.s32 $0x13240;
	s19 =	simm.s32 $0x16440;
	[dreg:$0xa] =	wrdreg s21  }
0xf: {  	s20 =	simm.s32 $0x1;
	s21 =	simm.s32 $0x40;
	[dreg:$0xb] =	wrdreg s22  }
0x10: {  	s22 =	simm.s32 $0x80000;
	[dreg:$0xc] =	wrdreg s23;
	s23 =	simm.s32 $0x2  }
0x11: {  	[dreg:$0xd] =	wrdreg s24;
	s24 =	simm.s32 $0x0;
	s6 =	sor.u32 s7, s6  }
0x12: {  	s7 =	sadd.s32 s28, s4;
	s29 =	sshrl.u32 s9, $0x1;
	s31 =	sadd.s32 s10, s8  }
0x13: {  	s10 =	simm.s32 $0x3840;
	s6 =	smul.u32 $0x19, s6;
	s9 =	ssub.s32 s9, s29  }
0x14: {  	s30 =	sadd.s32 s11, s7;
	s7 =	sadd.s32 s12, s31;
	s11 =	simm.s32 $0x190  }
0x15: {  	s12 =	simm.s32 $0x6A40;
	s5 =	smax.u32 s9, $0x1;
	s9 =	simm.s32 $0x640  }
0x16: {  	s4 =	sadd.s32 s8, s6;
	s6 =	sadd.s32 $0xDCC00, s30;
	s8 =	simm.s32 $0xC8  }
0x17: {  	[dreg:$0x2] =	wrdreg s6;
	s6 =	sadd.s32 $0x64, s7;
	s7 =	simm.s32 $0x3  }
.LBB2_1:
0x18: {  	[tilespmem:s2], [sflag:$0x3] =	stream.linear.gather [hbm4b:s4+s2], $0x320, $0x38;
	[tilespmem:$0x19640] =	vst v63  }
0x19: {  	_ =	swait.ge [sflag:s7], $0x320  }
0x1a: {  	[sflag:s7] =	ssyncset.done $0x0  }
0x1b: {  	[sflag:s7] =	ssyncadd.s32 $0xFFFFFCE0  }
0x1c: {  	[tilespmem:s9], [sflag:$0x1] =	stream.indirect.gather [hbm4b:s3+s8], $0x40, s2, s8, $0xb8;
	[tilespmem:$0x19640] =	vst v63  }
0x1d: {  	_ = 	snop  }
0x1e: {  	[tilespmem:s10], [sflag:$0x1] =	stream.indirect.gather [hbm4b:s3+s8], $0x40, s8, s8, $0xb8;
	[tilespmem:$0x19640] =	vst v63  }
0x1f: {  	_ = 	snop  }
0x20: {  	[tilespmem:s12], [sflag:$0x1] =	stream.indirect.gather [hbm4b:s3+s8], $0x40, s11, s8, $0xb8;
	[tilespmem:$0x19640] =	vst v63  }
0x21: {  	_ = 	snop  }
0x22: {  	[tilespmem:s14], [sflag:$0x1] =	stream.indirect.gather [hbm4b:s3+s8], $0x40, s13, s8, $0xb8;
	[tilespmem:$0x19640] =	vst v63  }
0x23: {  	_ = 	snop  }
0x24: {  	[tilespmem:s15], [sflag:$0x3] =	stream.linear.gather [hbm4b:s6+s2], $0x320, $0x38;
	[tilespmem:$0x19640] =	vst v63  }
0x25: {  	_ =	swait.ge [sflag:s7], $0x320  }
0x26: {  	[sflag:s7] =	ssyncset.done $0x0  }
0x27: {  	[sflag:s7] =	ssyncadd.s32 $0xFFFFFCE0  }
0x28: {  	[tilespmem:s16], [sflag:$0x2] =	stream.indirect.gather [hbm4b:s3+s8], $0x40, s15, s8, $0xb8;
	[tilespmem:$0x19640] =	vst v63  }
0x29: {  	s25 =	rddreg [dreg:$0x3]  }
0x2a: {  	[tilespmem:s17], [sflag:$0x2] =	stream.indirect.gather [hbm4b:s3+s8], $0x40, s25, s8, $0xb8;
	[tilespmem:$0x19640] =	vst v63  }
0x2b: {  	s26 =	rddreg [dreg:$0x4]  }
0x2c: {  	[tilespmem:s18], [sflag:$0x2] =	stream.indirect.gather [hbm4b:s3+s8], $0x40, s26, s8, $0xb8;
	[tilespmem:$0x19640] =	vst v63  }
0x2d: {  	s31 =	rddreg [dreg:$0x5]  }
0x2e: {  	[tilespmem:s19], [sflag:$0x2] =	stream.indirect.gather [hbm4b:s3+s8], $0x40, s31, s8, $0xb8;
	[tilespmem:$0x19640] =	vst v63  }
0x2f: {  	_ =	swait.ge [sflag:s20], $0xC800  }
0x30: {  	s0 =	rddreg [dreg:$0x2];
	[sflag:s20] =	ssyncset.done $0x0  }
0x31: {  	[sflag:s20] =	ssyncadd.s32 $0xFFFF3800;
	s25 =	sadd.s32 $0x0, s0  }
0x32: {  	[hbm4b:s25+s21] =	stream.strided.scatter [tilespmem:s9], [sflag:$0x3], $0x1900, s22, s21, $0x38;
	[tilespmem:$0x19640] =	vst v63  }
0x33: {  	_ =	swait.ge [sflag:s7], $0x1900  }
0x34: {  	[sflag:s7] =	ssyncset.done $0x0  }
0x35: {  	s28 =	sadd.s32 $0x8, s25;
	s1 =	rddreg [dreg:$0x6];
	[sflag:s7] =	ssyncadd.s32 $0xFFFFE700  }
0x36: {  	[hbm4b:s28+s21] =	stream.strided.scatter [tilespmem:s1], [sflag:$0x3], $0x1900, s22, s21, $0x38;
	[tilespmem:$0x19640] =	vst v63  }
0x37: {  	_ =	swait.ge [sflag:s7], $0x1900  }
0x38: {  	[sflag:s7] =	ssyncset.done $0x0  }
0x39: {  	s28 =	sadd.s32 $0x10, s25;
	[sflag:s7] =	ssyncadd.s32 $0xFFFFE700  }
0x3a: {  	[hbm4b:s28+s21] =	stream.strided.scatter [tilespmem:s10], [sflag:$0x3], $0x1900, s22, s21, $0x38;
	[tilespmem:$0x19640] =	vst v63  }
0x3b: {  	_ =	swait.ge [sflag:s7], $0x1900  }
0x3c: {  	[sflag:s7] =	ssyncset.done $0x0  }
0x3d: {  	s30 =	sadd.s32 $0x18, s25;
	s29 =	rddreg [dreg:$0x7];
	[sflag:s7] =	ssyncadd.s32 $0xFFFFE700  }
0x3e: {  	[hbm4b:s30+s21] =	stream.strided.scatter [tilespmem:s29], [sflag:$0x3], $0x1900, s22, s21, $0x38;
	[tilespmem:$0x19640] =	vst v63  }
0x3f: {  	_ =	swait.ge [sflag:s7], $0x1900  }
0x40: {  	[sflag:s7] =	ssyncset.done $0x0  }
0x41: {  	s31 =	sadd.s32 $0x20, s25;
	[sflag:s7] =	ssyncadd.s32 $0xFFFFE700  }
0x42: {  	[hbm4b:s31+s21] =	stream.strided.scatter [tilespmem:s12], [sflag:$0x3], $0x1900, s22, s21, $0x38;
	[tilespmem:$0x19640] =	vst v63  }
0x43: {  	_ =	swait.ge [sflag:s7], $0x1900  }
0x44: {  	[sflag:s7] =	ssyncset.done $0x0  }
0x45: {  	s1 =	sadd.s32 $0x28, s25;
	s0 =	rddreg [dreg:$0x8];
	[sflag:s7] =	ssyncadd.s32 $0xFFFFE700  }
0x46: {  	[hbm4b:s1+s21] =	stream.strided.scatter [tilespmem:s0], [sflag:$0x3], $0x1900, s22, s21, $0x38;
	[tilespmem:$0x19640] =	vst v63  }
0x47: {  	_ =	swait.ge [sflag:s7], $0x1900  }
0x48: {  	[sflag:s7] =	ssyncset.done $0x0  }
0x49: {  	s28 =	sadd.s32 $0x30, s25;
	[sflag:s7] =	ssyncadd.s32 $0xFFFFE700  }
0x4a: {  	[hbm4b:s28+s21] =	stream.strided.scatter [tilespmem:s14], [sflag:$0x3], $0x1900, s22, s21, $0x38;
	[tilespmem:$0x19640] =	vst v63  }
0x4b: {  	_ =	swait.ge [sflag:s7], $0x1900  }
0x4c: {  	[sflag:s7] =	ssyncset.done $0x0  }
0x4d: {  	s30 =	sadd.s32 $0x38, s25;
	s29 =	rddreg [dreg:$0x9];
	[sflag:s7] =	ssyncadd.s32 $0xFFFFE700  }
0x4e: {  	[hbm4b:s30+s21] =	stream.strided.scatter [tilespmem:s29], [sflag:$0x3], $0x1900, s22, s21, $0x38;
	[tilespmem:$0x19640] =	vst v63  }
0x4f: {  	p0 =	por $0x0, $0x0;
	_ =	swait.ge [sflag:s7], $0x1900  }
0x50: {  	s26 =	sadd.s32 @!p0 $0x64, s6;
	[sflag:s7] =	ssyncset.done $0x0  }
0x51: {  	s28 =	simm.s32 @!p0 $0x0;
	s29 =	simm.s32 @!p0 $0x3;
	[sflag:s7] =	ssyncadd.s32 $0xFFFFE700  }
0x52: {  	[tilespmem:s28], [sflag:$0x3] =	stream.linear.gather @!p0 [hbm4b:s26+s28], $0x320, $0x38;
	[tilespmem:$0x19640] =	vst v63  }
0x53: {  	_ =	swait.ge @!p0 [sflag:s29], $0x320  }
0x54: {  	[sflag:s29] =	ssyncset.done @!p0 $0x0  }
0x55: {  	s26 =	simm.s32 @!p0 $0xC8;
	[sflag:s29] =	ssyncadd.s32 @!p0 $0xFFFFFCE0;
	s29 =	simm.s32 @!p0 $0x640  }
0x56: {  	[tilespmem:s29], [sflag:$0x1] =	stream.indirect.gather @!p0 [hbm4b:s3+s26], $0x40, s28, s26, $0xb8;
	[tilespmem:$0x19640] =	vst v63  }
0x57: {  	s28 =	simm.s32 @!p0 $0x3840  }
0x58: {  	[tilespmem:s28], [sflag:$0x1] =	stream.indirect.gather @!p0 [hbm4b:s3+s26], $0x40, s26, s26, $0xb8;
	[tilespmem:$0x19640] =	vst v63  }
0x59: {  	s29 =	simm.s32 @!p0 $0x6A40;
	s28 =	simm.s32 @!p0 $0x190  }
0x5a: {  	[tilespmem:s29], [sflag:$0x1] =	stream.indirect.gather @!p0 [hbm4b:s3+s26], $0x40, s28, s26, $0xb8;
	[tilespmem:$0x19640] =	vst v63  }
0x5b: {  	s28 =	simm.s32 @!p0 $0x258;
	s29 =	simm.s32 @!p0 $0x9C40  }
0x5c: {  	[tilespmem:s29], [sflag:$0x1] =	stream.indirect.gather @!p0 [hbm4b:s3+s26], $0x40, s28, s26, $0xb8;
	[tilespmem:$0x19640] =	vst v63  }
0x5d: {  	_ =	swait.ge [sflag:s23], $0xC800  }
0x5e: {  	[sflag:s23] =	ssyncset.done $0x0  }
0x5f: {  	s31 =	sadd.s32 $0x40, s25;
	[sflag:s23] =	ssyncadd.s32 $0xFFFF3800  }
0x60: {  	[hbm4b:s31+s21] =	stream.strided.scatter [tilespmem:s16], [sflag:$0x3], $0x1900, s22, s21, $0x38;
	[tilespmem:$0x19640] =	vst v63  }
0x61: {  	_ =	swait.ge [sflag:s7], $0x1900  }
0x62: {  	[sflag:s7] =	ssyncset.done $0x0  }
0x63: {  	s1 =	sadd.s32 $0x48, s25;
	s0 =	rddreg [dreg:$0xa];
	[sflag:s7] =	ssyncadd.s32 $0xFFFFE700  }
0x64: {  	[hbm4b:s1+s21] =	stream.strided.scatter [tilespmem:s0], [sflag:$0x3], $0x1900, s22, s21, $0x38;
	[tilespmem:$0x19640] =	vst v63  }
0x65: {  	_ =	swait.ge [sflag:s7], $0x1900  }
0x66: {  	[sflag:s7] =	ssyncset.done $0x0  }
0x67: {  	s29 =	sadd.s32 $0x50, s25;
	[sflag:s7] =	ssyncadd.s32 $0xFFFFE700  }
0x68: {  	[hbm4b:s29+s21] =	stream.strided.scatter [tilespmem:s17], [sflag:$0x3], $0x1900, s22, s21, $0x38;
	[tilespmem:$0x19640] =	vst v63  }
0x69: {  	_ =	swait.ge [sflag:s7], $0x1900  }
0x6a: {  	[sflag:s7] =	ssyncset.done $0x0  }
0x6b: {  	s31 =	sadd.s32 $0x58, s25;
	s30 =	rddreg [dreg:$0xb];
	[sflag:s7] =	ssyncadd.s32 $0xFFFFE700  }
0x6c: {  	[hbm4b:s31+s21] =	stream.strided.scatter [tilespmem:s30], [sflag:$0x3], $0x1900, s22, s21, $0x38;
	[tilespmem:$0x19640] =	vst v63  }
0x6d: {  	_ =	swait.ge [sflag:s7], $0x1900  }
0x6e: {  	[sflag:s7] =	ssyncset.done $0x0  }
0x6f: {  	s0 =	sadd.s32 $0x60, s25;
	[sflag:s7] =	ssyncadd.s32 $0xFFFFE700  }
0x70: {  	[hbm4b:s0+s21] =	stream.strided.scatter [tilespmem:s18], [sflag:$0x3], $0x1900, s22, s21, $0x38;
	[tilespmem:$0x19640] =	vst v63  }
0x71: {  	_ =	swait.ge [sflag:s7], $0x1900  }
0x72: {  	[sflag:s7] =	ssyncset.done $0x0  }
0x73: {  	s29 =	sadd.s32 $0x68, s25;
	s1 =	rddreg [dreg:$0xc];
	[sflag:s7] =	ssyncadd.s32 $0xFFFFE700  }
0x74: {  	[hbm4b:s29+s21] =	stream.strided.scatter [tilespmem:s1], [sflag:$0x3], $0x1900, s22, s21, $0x38;
	[tilespmem:$0x19640] =	vst v63  }
0x75: {  	_ =	swait.ge [sflag:s7], $0x1900  }
0x76: {  	[sflag:s7] =	ssyncset.done $0x0  }
0x77: {  	s30 =	sadd.s32 $0x70, s25;
	[sflag:s7] =	ssyncadd.s32 $0xFFFFE700  }
0x78: {  	[hbm4b:s30+s21] =	stream.strided.scatter [tilespmem:s19], [sflag:$0x3], $0x1900, s22, s21, $0x38;
	[tilespmem:$0x19640] =	vst v63  }
0x79: {  	_ =	swait.ge [sflag:s7], $0x1900  }
0x7a: {  	[sflag:s7] =	ssyncset.done $0x0  }
0x7b: {  	s25 =	sadd.s32 $0x78, s25;
	s31 =	rddreg [dreg:$0xd];
	[sflag:s7] =	ssyncadd.s32 $0xFFFFE700  }
0x7c: {  	[hbm4b:s25+s21] =	stream.strided.scatter [tilespmem:s31], [sflag:$0x3], $0x1900, s22, s21, $0x38;
	[tilespmem:$0x19640] =	vst v63  }
0x7d: {  	s26 =	smov.u32 s6;
	s25 =	simm.s32 $0x80;
	_ =	swait.ge [sflag:s7], $0x1900  }
.LBB2_2:
0x7e: {  	[sflag:s7] =	ssyncset.done $0x0  }
0x7f: {  	s26 =	sadd.s32 $0xC8, s26;
	[sflag:s7] =	ssyncadd.s32 $0xFFFFE700  }
0x80: {  	[tilespmem:s15], [sflag:$0x3] =	stream.linear.gather [hbm4b:s26+s2], $0x320, $0x38;
	[tilespmem:$0x19640] =	vst v63  }
0x81: {  	_ =	swait.ge [sflag:s7], $0x320  }
0x82: {  	[sflag:s7] =	ssyncset.done $0x0  }
0x83: {  	[sflag:s7] =	ssyncadd.s32 $0xFFFFFCE0  }
0x84: {  	[tilespmem:s16], [sflag:$0x2] =	stream.indirect.gather [hbm4b:s3+s8], $0x40, s15, s8, $0xb8;
	[tilespmem:$0x19640] =	vst v63  }
0x85: {  	s28 =	rddreg [dreg:$0x3]  }
0x86: {  	[tilespmem:s17], [sflag:$0x2] =	stream.indirect.gather [hbm4b:s3+s8], $0x40, s28, s8, $0xb8;
	[tilespmem:$0x19640] =	vst v63  }
0x87: {  	s30 =	rddreg [dreg:$0x4]  }
0x88: {  	[tilespmem:s18], [sflag:$0x2] =	stream.indirect.gather [hbm4b:s3+s8], $0x40, s30, s8, $0xb8;
	[tilespmem:$0x19640] =	vst v63  }
0x89: {  	s31 =	rddreg [dreg:$0x5]  }
0x8a: {  	[tilespmem:s19], [sflag:$0x2] =	stream.indirect.gather [hbm4b:s3+s8], $0x40, s31, s8, $0xb8;
	[tilespmem:$0x19640] =	vst v63  }
0x8b: {  	_ =	swait.ge [sflag:s20], $0xC800  }
0x8c: {  	s29 =	smov.u32 s25;
	s0 =	rddreg [dreg:$0x2];
	[sflag:s20] =	ssyncset.done $0x0  }
0x8d: {  	[sflag:s20] =	ssyncadd.s32 $0xFFFF3800;
	s28 =	sadd.s32 s29, s0  }
0x8e: {  	[hbm4b:s28+s21] =	stream.strided.scatter [tilespmem:s9], [sflag:$0x3], $0x1900, s22, s21, $0x38;
	[tilespmem:$0x19640] =	vst v63  }
0x8f: {  	_ =	swait.ge [sflag:s7], $0x1900  }
0x90: {  	[sflag:s7] =	ssyncset.done $0x0  }
0x91: {  	s31 =	sadd.s32 $0x8, s28;
	s1 =	rddreg [dreg:$0x6];
	[sflag:s7] =	ssyncadd.s32 $0xFFFFE700  }
0x92: {  	[hbm4b:s31+s21] =	stream.strided.scatter [tilespmem:s1], [sflag:$0x3], $0x1900, s22, s21, $0x38;
	[tilespmem:$0x19640] =	vst v63  }
0x93: {  	_ =	swait.ge [sflag:s7], $0x1900  }
0x94: {  	[sflag:s7] =	ssyncset.done $0x0  }
0x95: {  	s31 =	sadd.s32 $0x10, s28;
	[sflag:s7] =	ssyncadd.s32 $0xFFFFE700  }
0x96: {  	[hbm4b:s31+s21] =	stream.strided.scatter [tilespmem:s10], [sflag:$0x3], $0x1900, s22, s21, $0x38;
	[tilespmem:$0x19640] =	vst v63  }
0x97: {  	_ =	swait.ge [sflag:s7], $0x1900  }
0x98: {  	[sflag:s7] =	ssyncset.done $0x0  }
0x99: {  	s1 =	sadd.s32 $0x18, s28;
	s0 =	rddreg [dreg:$0x7];
	[sflag:s7] =	ssyncadd.s32 $0xFFFFE700  }
0x9a: {  	[hbm4b:s1+s21] =	stream.strided.scatter [tilespmem:s0], [sflag:$0x3], $0x1900, s22, s21, $0x38;
	[tilespmem:$0x19640] =	vst v63  }
0x9b: {  	_ =	swait.ge [sflag:s7], $0x1900  }
0x9c: {  	[sflag:s7] =	ssyncset.done $0x0  }
0x9d: {  	s31 =	sadd.s32 $0x20, s28;
	[sflag:s7] =	ssyncadd.s32 $0xFFFFE700  }
0x9e: {  	[hbm4b:s31+s21] =	stream.strided.scatter [tilespmem:s12], [sflag:$0x3], $0x1900, s22, s21, $0x38;
	[tilespmem:$0x19640] =	vst v63  }
0x9f: {  	_ =	swait.ge [sflag:s7], $0x1900  }
0xa0: {  	[sflag:s7] =	ssyncset.done $0x0  }
0xa1: {  	s1 =	sadd.s32 $0x28, s28;
	s0 =	rddreg [dreg:$0x8];
	[sflag:s7] =	ssyncadd.s32 $0xFFFFE700  }
0xa2: {  	[hbm4b:s1+s21] =	stream.strided.scatter [tilespmem:s0], [sflag:$0x3], $0x1900, s22, s21, $0x38;
	[tilespmem:$0x19640] =	vst v63  }
0xa3: {  	_ =	swait.ge [sflag:s7], $0x1900  }
0xa4: {  	[sflag:s7] =	ssyncset.done $0x0  }
0xa5: {  	s31 =	sadd.s32 $0x30, s28;
	[sflag:s7] =	ssyncadd.s32 $0xFFFFE700  }
0xa6: {  	[hbm4b:s31+s21] =	stream.strided.scatter [tilespmem:s14], [sflag:$0x3], $0x1900, s22, s21, $0x38;
	[tilespmem:$0x19640] =	vst v63  }
0xa7: {  	_ =	swait.ge [sflag:s7], $0x1900  }
0xa8: {  	[sflag:s7] =	ssyncset.done $0x0  }
0xa9: {  	s1 =	sadd.s32 $0x38, s28;
	s0 =	rddreg [dreg:$0x9];
	[sflag:s7] =	ssyncadd.s32 $0xFFFFE700  }
0xaa: {  	[hbm4b:s1+s21] =	stream.strided.scatter [tilespmem:s0], [sflag:$0x3], $0x1900, s22, s21, $0x38;
	[tilespmem:$0x19640] =	vst v63  }
0xab: {  	p1 =	seq.s32 s29, $0x780;
	_ =	swait.ge [sflag:s7], $0x1900  }
0xac: {  	s30 =	simm.s32 @!p1 $0x0;
	[sflag:s7] =	ssyncset.done $0x0  }
0xad: {  	s29 =	sadd.s32 @!p1 $0x64, s26;
	s31 =	simm.s32 @!p1 $0x3;
	[sflag:s7] =	ssyncadd.s32 $0xFFFFE700  }
0xae: {  	[tilespmem:s30], [sflag:$0x3] =	stream.linear.gather @!p1 [hbm4b:s29+s30], $0x320, $0x38;
	[tilespmem:$0x19640] =	vst v63  }
0xaf: {  	_ =	swait.ge @!p1 [sflag:s31], $0x320  }
0xb0: {  	[sflag:s31] =	ssyncset.done @!p1 $0x0  }
0xb1: {  	s0 =	simm.s32 @!p1 $0x640;
	s29 =	simm.s32 @!p1 $0xC8;
	[sflag:s31] =	ssyncadd.s32 @!p1 $0xFFFFFCE0  }
0xb2: {  	[tilespmem:s0], [sflag:$0x1] =	stream.indirect.gather @!p1 [hbm4b:s3+s29], $0x40, s30, s29, $0xb8;
	[tilespmem:$0x19640] =	vst v63  }
0xb3: {  	s31 =	simm.s32 @!p1 $0x3840  }
0xb4: {  	[tilespmem:s31], [sflag:$0x1] =	stream.indirect.gather @!p1 [hbm4b:s3+s29], $0x40, s29, s29, $0xb8;
	[tilespmem:$0x19640] =	vst v63  }
0xb5: {  	s0 =	simm.s32 @!p1 $0x190;
	s30 =	simm.s32 @!p1 $0x6A40  }
0xb6: {  	[tilespmem:s30], [sflag:$0x1] =	stream.indirect.gather @!p1 [hbm4b:s3+s29], $0x40, s0, s29, $0xb8;
	[tilespmem:$0x19640] =	vst v63  }
0xb7: {  	s1 =	simm.s32 @!p1 $0x9C40;
	s31 =	simm.s32 @!p1 $0x258  }
0xb8: {  	[tilespmem:s1], [sflag:$0x1] =	stream.indirect.gather @!p1 [hbm4b:s3+s29], $0x40, s31, s29, $0xb8;
	[tilespmem:$0x19640] =	vst v63  }
0xb9: {  	_ =	swait.ge [sflag:s23], $0xC800  }
0xba: {  	[sflag:s23] =	ssyncset.done $0x0  }
0xbb: {  	s29 =	sadd.s32 $0x40, s28;
	[sflag:s23] =	ssyncadd.s32 $0xFFFF3800  }
0xbc: {  	[hbm4b:s29+s21] =	stream.strided.scatter [tilespmem:s16], [sflag:$0x3], $0x1900, s22, s21, $0x38;
	[tilespmem:$0x19640] =	vst v63  }
0xbd: {  	_ =	swait.ge [sflag:s7], $0x1900  }
0xbe: {  	[sflag:s7] =	ssyncset.done $0x0  }
0xbf: {  	s31 =	sadd.s32 $0x48, s28;
	s30 =	rddreg [dreg:$0xa];
	[sflag:s7] =	ssyncadd.s32 $0xFFFFE700  }
0xc0: {  	[hbm4b:s31+s21] =	stream.strided.scatter [tilespmem:s30], [sflag:$0x3], $0x1900, s22, s21, $0x38;
	[tilespmem:$0x19640] =	vst v63  }
0xc1: {  	_ =	swait.ge [sflag:s7], $0x1900  }
0xc2: {  	[sflag:s7] =	ssyncset.done $0x0  }
0xc3: {  	s29 =	sadd.s32 $0x50, s28;
	[sflag:s7] =	ssyncadd.s32 $0xFFFFE700  }
0xc4: {  	[hbm4b:s29+s21] =	stream.strided.scatter [tilespmem:s17], [sflag:$0x3], $0x1900, s22, s21, $0x38;
	[tilespmem:$0x19640] =	vst v63  }
0xc5: {  	_ =	swait.ge [sflag:s7], $0x1900  }
0xc6: {  	[sflag:s7] =	ssyncset.done $0x0  }
0xc7: {  	s31 =	sadd.s32 $0x58, s28;
	s30 =	rddreg [dreg:$0xb];
	[sflag:s7] =	ssyncadd.s32 $0xFFFFE700  }
0xc8: {  	[hbm4b:s31+s21] =	stream.strided.scatter [tilespmem:s30], [sflag:$0x3], $0x1900, s22, s21, $0x38;
	[tilespmem:$0x19640] =	vst v63  }
0xc9: {  	_ =	swait.ge [sflag:s7], $0x1900  }
0xca: {  	[sflag:s7] =	ssyncset.done $0x0  }
0xcb: {  	s29 =	sadd.s32 $0x60, s28;
	[sflag:s7] =	ssyncadd.s32 $0xFFFFE700  }
0xcc: {  	[hbm4b:s29+s21] =	stream.strided.scatter [tilespmem:s18], [sflag:$0x3], $0x1900, s22, s21, $0x38;
	[tilespmem:$0x19640] =	vst v63  }
0xcd: {  	_ =	swait.ge [sflag:s7], $0x1900  }
0xce: {  	[sflag:s7] =	ssyncset.done $0x0  }
0xcf: {  	s31 =	sadd.s32 $0x68, s28;
	s30 =	rddreg [dreg:$0xc];
	[sflag:s7] =	ssyncadd.s32 $0xFFFFE700  }
0xd0: {  	[hbm4b:s31+s21] =	stream.strided.scatter [tilespmem:s30], [sflag:$0x3], $0x1900, s22, s21, $0x38;
	[tilespmem:$0x19640] =	vst v63  }
0xd1: {  	_ =	swait.ge [sflag:s7], $0x1900  }
0xd2: {  	s25 =	sadd.s32 $0x80, s25;
	[sflag:s7] =	ssyncset.done $0x0  }
0xd3: {  	p0 =	sne.s32 s25, $0x800;
	s29 =	sadd.s32 $0x70, s28;
	[sflag:s7] =	ssyncadd.s32 $0xFFFFE700  }
0xd4: {  	[hbm4b:s29+s21] =	stream.strided.scatter [tilespmem:s19], [sflag:$0x3], $0x1900, s22, s21, $0x38;
	[tilespmem:$0x19640] =	vst v63  }
.Ltmp0:
0xd5: {  	_ =	swait.ge [sflag:s7], $0x1900;
	(pc) =	sbr.rel @p0 .LBB2_2-.Ltmp0, $4  }
0xd6: {  	[sflag:s7] =	ssyncset.done $0x0  }
0xd7: {  	s31 =	sadd.s32 $0x78, s28;
	s30 =	rddreg [dreg:$0xd];
	[sflag:s7] =	ssyncadd.s32 $0xFFFFE700  }
0xd8: {  	[hbm4b:s31+s21] =	stream.strided.scatter [tilespmem:s30], [sflag:$0x3], $0x1900, s22, s21, $0x38;
	[tilespmem:$0x19640] =	vst v63  }
0xd9: {  	_ =	swait.ge [sflag:s7], $0x1900  }
0xda: {  	s24 =	sadd.s32 $0x1, s24  }
0xdb: {  	p0 =	sne.s32 s24, s5  }
.Ltmp1:
0xdc: {  	_ = 	snop;
	(pc) =	sbr.rel @p0 .LBB2_1-.Ltmp1, $3  }
0xdd: {  	_ =	sdelay $0x1  }
0xde: {  	[sflag:s7] =	ssyncset.done $0x0  }
0xdf: {  	[sflag:s7] =	ssyncadd.s32 $0xFFFFE700  }
0xe0: {  	_ =	sfence.sel $0x180000  }
0xe1: {  	[bflag:$0x0] =	sbarrier.arrive $0xFFFF  }
0xe2: {  	_ =	strace $0x90000047  }
0xe3: {  	s0 =	stileid.u32;
	[bflag:$0x2] =	sbarrier.arrive $0xFFFF  }
0xe4: {  	p0 =	sne.s32 s0, $0x0;
	s0 =	rddreg [dreg:$0x1]  }
0xe5: {  	s0 =	sadd.s32 @!p0 $0x100000, s0  }
0xe6: {  	[sflag:s0] =	ssyncadd.tile.s32 @!p0 $0x1;
	_ =	shalt  }
.Lfunc_end2:
_tile_overlayer_lowered:
.L_overlay_start_2:
0xe7: {  	(tag) =	ssettag $0x2  }
0xe8: {  	s0 =	rddreg [dreg:$0x0];
	s2 =	stileid.u32  }
0xe9: {  	s1 =	rddreg [dreg:$0x1];
	p0 =	sne.s32 s2, $0x0  }
0xea: {  	s3 =	rddreg [dreg:$0x2];
	[bflag:$0x3] =	sbarrier.arrive $0xFFFF;
	s2 =	simm.s32 @!p0 $0x1C03  }
0xeb: {  	[timem:s3], [sflag:s2] =	dma.local @!p0 [hbm:s0], s1  }
0xec: {  	s0 =	simm.s32 @!p0 $0x3  }
0xed: {  	_ =	swait.ge @!p0 [sflag:s0], s1  }
0xee: {  	s1 =	ssub.s32 @!p0 $0x0, s1;
	[sflag:s0] =	ssyncset.done @!p0 $0x0  }
0xef: {  	[sflag:s0] =	ssyncadd.s32 @!p0 s1  }
0xf0: {  	[bflag:$0x3] =	sbarrier.arrive $0xFFFF  }
0xf1: {  	_ =	shalt  }

</sc_bundles>
